<compile_context>
chip_gen: v7x
topology: tpu7x:2x2x1
jax: 0.10.2.dev20260603
libtpu: 0.0.44.dev20260713+nightly
codegen_flags: <defaults>
</compile_context>

<pallas_src>
import functools

import jax
import jax.numpy as jnp
from jax import lax
from jax.experimental import pallas as pl
from jax.experimental.pallas import tpu as pltpu
from jax.experimental.pallas import tpu_sc as plsc

_B = 2
_T = 4
_N = 4096
_M = 1024
_K = 32
_C = 128
_R2 = 0.9 * 0.9
_PAD = (0, 0, 1, 2, 3, 0)
_NPAIR = _B * _T * 3


def _fps_body(x_ref, xr_ref, anch_ref):
    xx = xr_ref[0, 0]
    xy = xr_ref[0, 1]
    xz = xr_ref[0, 2]
    flat = (lax.broadcasted_iota(jnp.int32, (32, 128), 0) * 128
            + lax.broadcasted_iota(jnp.int32, (32, 128), 1))

    def body(i, carry):
        dist, far = carry
        c = x_ref[0, pl.ds(far, 1), :]
        anch_ref[0, pl.ds(i, 1), :] = c
        cx = c[0, 0]
        cy = c[0, 1]
        cz = c[0, 2]
        dx = xx - cx
        dy = xy - cy
        dz = xz - cz
        dd = (dx * dx + dy * dy) + dz * dz
        dist = jnp.minimum(dist, dd)
        m = jnp.max(dist)
        cand = jnp.where(dist == m, flat, jnp.int32(2 ** 30))
        far = jnp.min(cand)
        return dist, far

    dist0 = jnp.full((32, 128), 1e10, jnp.float32)
    lax.fori_loop(0, _M, body, (dist0, jnp.int32(0)), unroll=False)


def _fps(pts8, xr8):
    return pl.pallas_call(
        _fps_body,
        grid=(_B * _T,),
        in_specs=[
            pl.BlockSpec((1, _N, 3), lambda i: (i, 0, 0)),
            pl.BlockSpec((1, 3, 32, 128), lambda i: (i, 0, 0, 0)),
        ],
        out_specs=pl.BlockSpec((1, _M, 3), lambda i: (i, 0, 0)),
        out_shape=jax.ShapeDtypeStruct((_B * _T, _M, 3), jnp.float32),
    )(pts8, xr8)


def _ball_body(xs_hbm, an_hbm, disp_hbm, cnt_hbm,
               xfb, yfb, zfb, axa, aya, aza, dxb, dyb, dzb, cntb, mincb):
    cid = lax.axis_index("c")
    sid = lax.axis_index("s")
    w = cid * 16 + sid
    mk = _M * _K
    fn = _T * _N

    pltpu.sync_copy(an_hbm.at[pl.ds(0, _B * _T * _M)], axa)
    pltpu.sync_copy(an_hbm.at[pl.ds(_B * _T * _M, _B * _T * _M)], aya)
    pltpu.sync_copy(an_hbm.at[pl.ds(2 * _B * _T * _M, _B * _T * _M)], aza)

    def group(p, prev_b):
        bt = p // 3
        i = p - bt * 3
        b = bt // 4
        t = bt - b * 4
        ti = t + i
        src = jnp.where(ti == 5, 0,
                        jnp.minimum(jnp.maximum(ti - 1, 0), 3))

        @pl.when(b != prev_b)
        def _():
            fo = pl.multiple_of(b * (3 * fn), fn)
            pltpu.sync_copy(xs_hbm.at[pl.ds(fo, fn)], xfb)
            pltpu.sync_copy(xs_hbm.at[pl.ds(fo + fn, fn)], yfb)
            pltpu.sync_copy(xs_hbm.at[pl.ds(fo + 2 * fn, fn)], zfb)

        soff = pl.multiple_of(src * _N, _N)
        abase = pl.multiple_of(bt * _M + w * 32, 32)
        cntb[pl.ds(0, 16)] = jnp.zeros((16,), jnp.int32)
        cntb[pl.ds(16, 16)] = jnp.zeros((16,), jnp.int32)
        mincb[0] = 0

        def body(it, carry):
            n = it * 16

            @pl.when(mincb[0] < _K)
            def _():
                lbase = lax.iota(jnp.int32, 16) * _K
                ax0 = axa[pl.ds(abase, 16)]
                ax1 = axa[pl.ds(abase + 16, 16)]
                ay0 = aya[pl.ds(abase, 16)]
                ay1 = aya[pl.ds(abase + 16, 16)]
                az0 = aza[pl.ds(abase, 16)]
                az1 = aza[pl.ds(abase + 16, 16)]
                cnt0 = cntb[pl.ds(0, 16)]
                cnt1 = cntb[pl.ds(16, 16)]
                xv = xfb[pl.ds(soff + n, 16)]
                yv = yfb[pl.ds(soff + n, 16)]
                zv = zfb[pl.ds(soff + n, 16)]
                for j in range(16):
                    xs = xv[j]
                    ys = yv[j]
                    zs = zv[j]
                    dx0 = xs - ax0
                    dy0 = ys - ay0
                    dz0 = zs - az0
                    d0 = (dx0 * dx0 + dy0 * dy0) + dz0 * dz0
                    m0 = jnp.logical_and(d0 <= _R2, cnt0 < _K)
                    pos0 = lbase + cnt0
                    plsc.store_scatter(dxb, [pos0], dx0, mask=m0)
                    plsc.store_scatter(dyb, [pos0], dy0, mask=m0)
                    plsc.store_scatter(dzb, [pos0], dz0, mask=m0)
                    cnt0 = cnt0 + jnp.where(m0, 1, 0).astype(jnp.int32)
                    dx1 = xs - ax1
                    dy1 = ys - ay1
                    dz1 = zs - az1
                    d1 = (dx1 * dx1 + dy1 * dy1) + dz1 * dz1
                    m1 = jnp.logical_and(d1 <= _R2, cnt1 < _K)
                    pos1 = lbase + cnt1 + 512
                    plsc.store_scatter(dxb, [pos1], dx1, mask=m1)
                    plsc.store_scatter(dyb, [pos1], dy1, mask=m1)
                    plsc.store_scatter(dzb, [pos1], dz1, mask=m1)
                    cnt1 = cnt1 + jnp.where(m1, 1, 0).astype(jnp.int32)
                cntb[pl.ds(0, 16)] = cnt0
                cntb[pl.ds(16, 16)] = cnt1
                mincb[0] = jnp.minimum(jnp.min(cnt0), jnp.min(cnt1))

            return carry

        lax.fori_loop(0, _N // 16, body, jnp.int32(0), unroll=False)

        cnt0 = cntb[pl.ds(0, 16)]
        cnt1 = cntb[pl.ds(16, 16)]
        lane_base = lax.iota(jnp.int32, 16) * _K
        ax0 = axa[pl.ds(abase, 16)]
        ax1 = axa[pl.ds(abase + 16, 16)]
        ay0 = aya[pl.ds(abase, 16)]
        ay1 = aya[pl.ds(abase + 16, 16)]
        az0 = aza[pl.ds(abase, 16)]
        az1 = aza[pl.ds(abase + 16, 16)]
        v0x = xfb[pl.ds(soff, 16)]
        v0y = yfb[pl.ds(soff, 16)]
        v0z = zfb[pl.ds(soff, 16)]
        x0 = v0x[0]
        y0 = v0y[0]
        z0 = v0z[0]
        e0 = cnt0 == 0
        e1 = cnt1 == 0
        plsc.store_scatter(dxb, [lane_base], x0 - ax0, mask=e0)
        plsc.store_scatter(dyb, [lane_base], y0 - ay0, mask=e0)
        plsc.store_scatter(dzb, [lane_base], z0 - az0, mask=e0)
        plsc.store_scatter(dxb, [lane_base + 512], x0 - ax1, mask=e1)
        plsc.store_scatter(dyb, [lane_base + 512], y0 - ay1, mask=e1)
        plsc.store_scatter(dzb, [lane_base + 512], z0 - az1, mask=e1)
        cntb[pl.ds(0, 16)] = jnp.maximum(cnt0, 1)
        cntb[pl.ds(16, 16)] = jnp.maximum(cnt1, 1)

        d0 = pl.multiple_of(p * (3 * mk) + w * 1024, 1024)
        pltpu.sync_copy(dxb, disp_hbm.at[pl.ds(d0, 1024)])
        pltpu.sync_copy(dyb, disp_hbm.at[pl.ds(d0 + mk, 1024)])
        pltpu.sync_copy(dzb, disp_hbm.at[pl.ds(d0 + 2 * mk, 1024)])
        c0 = pl.multiple_of(p * _M + w * 32, 32)
        pltpu.sync_copy(cntb, cnt_hbm.at[pl.ds(c0, 32)])
        return b

    lax.fori_loop(0, _NPAIR, group, jnp.int32(-1), unroll=False)


@functools.cache
def _make_ball():
    return pl.kernel(
        _ball_body,
        out_type=(
            jax.ShapeDtypeStruct((_NPAIR * 3 * _M * _K,), jnp.float32),
            jax.ShapeDtypeStruct((_NPAIR * _M,), jnp.int32),
        ),
        mesh=plsc.VectorSubcoreMesh(core_axis_name="c", subcore_axis_name="s"),
        compiler_params=pltpu.CompilerParams(needs_layout_passes=False),
        scratch_types=[
            pltpu.VMEM((_T * _N,), jnp.float32),
            pltpu.VMEM((_T * _N,), jnp.float32),
            pltpu.VMEM((_T * _N,), jnp.float32),
            pltpu.VMEM((_B * _T * _M,), jnp.float32),
            pltpu.VMEM((_B * _T * _M,), jnp.float32),
            pltpu.VMEM((_B * _T * _M,), jnp.float32),
            pltpu.VMEM((1024,), jnp.float32),
            pltpu.VMEM((1024,), jnp.float32),
            pltpu.VMEM((1024,), jnp.float32),
            pltpu.VMEM((32,), jnp.int32),
            pltpu.SMEM((1,), jnp.int32),
        ],
    )


def _feat_body(disp_ref, cnt_ref, wt_ref, out_ref):
    mt = 8192 // _K
    w3 = wt_ref[3:4, :]
    acc = jnp.full((mt, _C), -jnp.inf, jnp.float32)
    kio = lax.broadcasted_iota(jnp.int32, (mt, _K, 1), 1)
    for i in range(3):
        at = disp_ref[0, i]
        fmat = lax.dot_general(at, wt_ref[0:3, :], (((0,), (0,)), ((), ())),
                               preferred_element_type=jnp.float32)
        f3 = fmat.reshape(mt, _K, _C)
        cnt = cnt_ref[0, i]
        valid = kio < cnt[:, :, None]
        fm = jnp.max(jnp.where(valid, f3, -jnp.inf), axis=1)
        dt = jnp.float32(i - 1)
        acc = jnp.maximum(acc, fm + dt * w3)
    out_ref[0] = acc


def _feat(disp_r, cnt_r, wt):
    return pl.pallas_call(
        _feat_body,
        grid=(_B * _T, 4),
        in_specs=[
            pl.BlockSpec((1, 3, 3, 8192), lambda bt, mt: (bt, 0, 0, mt)),
            pl.BlockSpec((1, 3, 256, 1), lambda bt, mt: (bt, 0, mt, 0)),
            pl.BlockSpec((4, _C), lambda bt, mt: (0, 0)),
        ],
        out_specs=pl.BlockSpec((1, 256, _C), lambda bt, mt: (bt, mt, 0)),
        out_shape=jax.ShapeDtypeStruct((_B * _T, _M, _C), jnp.float32),
    )(disp_r, cnt_r, wt)


def kernel(points, W):
    pts8 = points.reshape(_B * _T, _N, 3)
    xs = jnp.transpose(pts8, (0, 2, 1))
    xr8 = xs.reshape(_B * _T, 3, 32, 128)
    anchors = _fps(pts8, xr8)
    xs_b = jnp.transpose(points.reshape(_B, _T, _N, 3), (0, 3, 1, 2))
    an_c = jnp.transpose(anchors, (2, 0, 1))
    disp, cnt = _make_ball()(xs_b.reshape(-1), an_c.reshape(-1))
    disp_r = disp.reshape(_B * _T, 3, 3, _M * _K)
    cnt_r = cnt.reshape(_B * _T, 3, _M, 1)
    feats = _feat(disp_r, cnt_r, W.T)
    new_points = anchors.reshape(_B, _T, _M, 3)
    new_features = feats.reshape(_B, _T, _M, _C)
    return new_points, new_features

# --- scband reference (transcript-rebuilt; emitter-appended) ---
"""Pipeline reference for scband-p4-dconv-687194768136 (READ-ONLY COPY).

The authoritative reference and input builder live on the scoring server;
editing this copy changes nothing except your own understanding.
"""

import jax, jax.numpy as jnp
import numpy as np

MLP_PLANE = 128
RADIUS = 0.9
K = 32
SPATIAL_STRIDE = 4
TEMPORAL_KERNEL = 3
TEMPORAL_STRIDE = 1
TEMPORAL_PADDING = (1, 1)


def fps(xyz, npoint):
    # furthest point sampling, matches pointnet2 CUDA (starts from index 0)
    B, N, _ = xyz.shape

    def body(i, state):
        idxs, dist, farthest = state
        idxs = idxs.at[:, i].set(farthest)
        centroid = jnp.take_along_axis(xyz, farthest[:, None, None], axis=1)  # (B,1,3)
        d = jnp.sum((xyz - centroid) ** 2, axis=-1)  # (B,N)
        dist = jnp.minimum(dist, d)
        farthest = jnp.argmax(dist, axis=-1).astype(jnp.int32)
        return (idxs, dist, farthest)

    idxs0 = jnp.zeros((B, npoint), dtype=jnp.int32)
    dist0 = jnp.full((B, N), 1e10, dtype=xyz.dtype)
    far0 = jnp.zeros((B,), dtype=jnp.int32)
    idxs, _, _ = jax.lax.fori_loop(0, npoint, body, (idxs0, dist0, far0))
    return idxs


def ball_query(r, k, xyz, new_xyz):
    # xyz: (B,N,3) candidate points, new_xyz: (B,M,3) anchors -> (B,M,k) int32
    N = xyz.shape[1]
    d = jnp.sum((new_xyz[:, :, None, :] - xyz[:, None, :, :]) ** 2, axis=-1)  # (B,M,N)
    ar = jnp.arange(N, dtype=jnp.int32)
    cand = jnp.where(d <= r * r, ar[None, None, :], N)
    cand = jnp.sort(cand, axis=-1)[:, :, :k]
    first = cand[:, :, :1]
    first = jnp.where(first == N, 0, first)  # empty ball -> index 0 (CUDA init behavior)
    idx = jnp.where(cand == N, first, cand)
    return idx.astype(jnp.int32)


def group(xyz, idx):
    # xyz (B,N,3), idx (B,M,k) -> (B,M,k,3)
    B = xyz.shape[0]
    bidx = jnp.arange(B)[:, None, None]
    return xyz[bidx, idx]


def setup_inputs(seed: int = 0) -> dict:
    key = jax.random.key(seed)
    k1, k2 = jax.random.split(key)
    points = jax.random.normal(k1, (2, 4, 4096, 3), dtype=jnp.float32)
    # conv_d: Conv2d(4 -> mlp_plane, kernel 1x1, bias=False) == matmul with W (C_out, 4)
    W = jax.random.normal(k2, (MLP_PLANE, 4), dtype=jnp.float32) * 0.1
    return {"points": points, "W": W}


def reference(points, W):
    B, T, N, _ = points.shape
    M = N // SPATIAL_STRIDE
    half = TEMPORAL_KERNEL // 2
    pts = [points[:, t] for t in range(T)]
    pts = [pts[0]] * TEMPORAL_PADDING[0] + pts + [pts[0]] * TEMPORAL_PADDING[1]

    new_points = []
    new_features = []
    for t in range(half, len(pts) - half, TEMPORAL_STRIDE):
        aidx = fps(pts[t], M)  # (B,M)
        anchors = jnp.take_along_axis(pts[t], aidx[:, :, None], axis=1)  # (B,M,3)
        feats = []
        for i in range(t - half, t + half + 1):
            nidx = ball_query(RADIUS, K, pts[i], anchors)  # (B,M,K)
            grouped = group(pts[i], nidx)  # (B,M,K,3)
            disp = grouped - anchors[:, :, None, :]  # (B,M,K,3)
            tdisp = jnp.full(disp.shape[:-1] + (1,), float(i - t), dtype=disp.dtype)
            dsp = jnp.concatenate([disp, tdisp], axis=-1)  # (B,M,K,4) channels [dx,dy,dz,dt]
            f = jnp.einsum('bmkc,oc->bmko', dsp, W)  # 1x1 conv over channel dim
            f = jnp.max(f, axis=2)  # max over K neighbors -> (B,M,C)
            feats.append(f)
        feat = jnp.max(jnp.stack(feats, axis=1), axis=1)  # max over temporal kernel -> (B,M,C)
        new_points.append(anchors)
        new_features.append(feat)

    return (jnp.stack(new_points, axis=1), jnp.stack(new_features, axis=1))

if __name__ == "__main__":
    import jax
    _d = setup_inputs()
    print(jax.jit(kernel)(*tuple(_d.values())))

</pallas_src>

<mosaic_0001>
#map = affine_map<(d0, d1) -> (0)>
module attributes {stable_mosaic.version = 14 : i64} {
  func.func @_ball_body(%arg0: i32, %arg1: i32, %arg2: memref<98304xf32, #tpu.memory_space<hbm>>, %arg3: memref<24576xf32, #tpu.memory_space<hbm>>, %arg4: memref<2359296xf32, #tpu.memory_space<hbm>>, %arg5: memref<24576xi32, #tpu.memory_space<hbm>>, %arg6: memref<16384xf32, #tpu.memory_space<vmem>>, %arg7: memref<16384xf32, #tpu.memory_space<vmem>>, %arg8: memref<16384xf32, #tpu.memory_space<vmem>>, %arg9: memref<8192xf32, #tpu.memory_space<vmem>>, %arg10: memref<8192xf32, #tpu.memory_space<vmem>>, %arg11: memref<8192xf32, #tpu.memory_space<vmem>>, %arg12: memref<1024xf32, #tpu.memory_space<vmem>>, %arg13: memref<1024xf32, #tpu.memory_space<vmem>>, %arg14: memref<1024xf32, #tpu.memory_space<vmem>>, %arg15: memref<32xi32, #tpu.memory_space<vmem>>, %arg16: memref<1xi32, #tpu.memory_space<smem>>) attributes {dimension_semantics = [#tpu.dimension_semantics<core_parallel>, #tpu.dimension_semantics<subcore_parallel>], iteration_bounds = array<i64: 2, 16>, scalar_prefetch = 0 : i64, scratch_operands = 11 : i64, tpu.core_type = #tpu.core_type<sc_vector_subcore>, window_params = [{transform_indices = #map}, {transform_indices = #map}, {transform_indices = #map}, {transform_indices = #map}]} {
    %mul3A = arith.constant 16 : i32
    %mul3A_0 = arith.muli %arg0, %mul3A : i32
    %add3A = arith.addi %mul3A_0, %arg1 : i32
    "tpu.region"() ({
      %run_scoped3A = tpu.sem_alloc : memref<!tpu.dma_semaphore, #tpu.memory_space<semaphore_mem>>
      %dma_start3A = arith.constant 0 : i32
      %dma_start3A_7 = tpu.memref_slice %arg3[%dma_start3A] : memref<24576xf32, #tpu.memory_space<hbm>> -> memref<8192xf32, #tpu.memory_space<hbm>>
      %dma_start3A_8 = arith.constant 0 : i32
      %dma_start3A_9 = tpu.memref_slice %arg3[%dma_start3A_8] : memref<24576xf32, #tpu.memory_space<hbm>> -> memref<8192xf32, #tpu.memory_space<hbm>>
      tpu.enqueue_dma source(%dma_start3A_9 : memref<8192xf32, #tpu.memory_space<hbm>>) target(%arg9 : memref<8192xf32, #tpu.memory_space<vmem>>) target_semaphore(%run_scoped3A : memref<!tpu.dma_semaphore, #tpu.memory_space<semaphore_mem>>)
      %dma_wait3A = arith.constant 0 : i32
      %dma_wait3A_10 = tpu.memref_slice %arg3[%dma_wait3A] : memref<24576xf32, #tpu.memory_space<hbm>> -> memref<8192xf32, #tpu.memory_space<hbm>>
      %dma_wait3A_11 = arith.constant 0 : i32
      %dma_wait3A_12 = tpu.memref_slice %arg3[%dma_wait3A_11] : memref<24576xf32, #tpu.memory_space<hbm>> -> memref<8192xf32, #tpu.memory_space<hbm>>
      tpu.wait_dma2 semaphore(%run_scoped3A : memref<!tpu.dma_semaphore, #tpu.memory_space<semaphore_mem>>) src(%dma_wait3A_12 : memref<8192xf32, #tpu.memory_space<hbm>>) dst(%arg9 : memref<8192xf32, #tpu.memory_space<vmem>>)
      tpu.yield
    }) : () -> ()
    "tpu.region"() ({
      %run_scoped3A = tpu.sem_alloc : memref<!tpu.dma_semaphore, #tpu.memory_space<semaphore_mem>>
      %dma_start3A = arith.constant 8192 : i32
      %dma_start3A_7 = tpu.memref_slice %arg3[%dma_start3A] : memref<24576xf32, #tpu.memory_space<hbm>> -> memref<8192xf32, #tpu.memory_space<hbm>>
      %dma_start3A_8 = arith.constant 8192 : i32
      %dma_start3A_9 = tpu.memref_slice %arg3[%dma_start3A_8] : memref<24576xf32, #tpu.memory_space<hbm>> -> memref<8192xf32, #tpu.memory_space<hbm>>
      tpu.enqueue_dma source(%dma_start3A_9 : memref<8192xf32, #tpu.memory_space<hbm>>) target(%arg10 : memref<8192xf32, #tpu.memory_space<vmem>>) target_semaphore(%run_scoped3A : memref<!tpu.dma_semaphore, #tpu.memory_space<semaphore_mem>>)
      %dma_wait3A = arith.constant 8192 : i32
      %dma_wait3A_10 = tpu.memref_slice %arg3[%dma_wait3A] : memref<24576xf32, #tpu.memory_space<hbm>> -> memref<8192xf32, #tpu.memory_space<hbm>>
      %dma_wait3A_11 = arith.constant 8192 : i32
      %dma_wait3A_12 = tpu.memref_slice %arg3[%dma_wait3A_11] : memref<24576xf32, #tpu.memory_space<hbm>> -> memref<8192xf32, #tpu.memory_space<hbm>>
      tpu.wait_dma2 semaphore(%run_scoped3A : memref<!tpu.dma_semaphore, #tpu.memory_space<semaphore_mem>>) src(%dma_wait3A_12 : memref<8192xf32, #tpu.memory_space<hbm>>) dst(%arg10 : memref<8192xf32, #tpu.memory_space<vmem>>)
      tpu.yield
    }) : () -> ()
    "tpu.region"() ({
      %run_scoped3A = tpu.sem_alloc : memref<!tpu.dma_semaphore, #tpu.memory_space<semaphore_mem>>
      %dma_start3A = arith.constant 16384 : i32
      %dma_start3A_7 = tpu.memref_slice %arg3[%dma_start3A] : memref<24576xf32, #tpu.memory_space<hbm>> -> memref<8192xf32, #tpu.memory_space<hbm>>
      %dma_start3A_8 = arith.constant 16384 : i32
      %dma_start3A_9 = tpu.memref_slice %arg3[%dma_start3A_8] : memref<24576xf32, #tpu.memory_space<hbm>> -> memref<8192xf32, #tpu.memory_space<hbm>>
      tpu.enqueue_dma source(%dma_start3A_9 : memref<8192xf32, #tpu.memory_space<hbm>>) target(%arg11 : memref<8192xf32, #tpu.memory_space<vmem>>) target_semaphore(%run_scoped3A : memref<!tpu.dma_semaphore, #tpu.memory_space<semaphore_mem>>)
      %dma_wait3A = arith.constant 16384 : i32
      %dma_wait3A_10 = tpu.memref_slice %arg3[%dma_wait3A] : memref<24576xf32, #tpu.memory_space<hbm>> -> memref<8192xf32, #tpu.memory_space<hbm>>
      %dma_wait3A_11 = arith.constant 16384 : i32
      %dma_wait3A_12 = tpu.memref_slice %arg3[%dma_wait3A_11] : memref<24576xf32, #tpu.memory_space<hbm>> -> memref<8192xf32, #tpu.memory_space<hbm>>
      tpu.wait_dma2 semaphore(%run_scoped3A : memref<!tpu.dma_semaphore, #tpu.memory_space<semaphore_mem>>) src(%dma_wait3A_12 : memref<8192xf32, #tpu.memory_space<hbm>>) dst(%arg11 : memref<8192xf32, #tpu.memory_space<vmem>>)
      tpu.yield
    }) : () -> ()
    %scan3A = arith.constant -1 : i32
    %scan3A_1 = arith.constant 0 : i32
    %scan3A_2 = arith.constant 24 : i32
    %scan3A_3 = arith.addi %scan3A_1, %scan3A_2 : i32
    %scan3A_4 = arith.constant 1 : i32
    %scan3A_5 = scf.for %scan3A_7 = %scan3A_1 to %scan3A_3 step %scan3A_4 iter_args(%scan3A_8 = %scan3A) -> (i32)  : i32 {
      %jit3A = arith.constant 3 : i32
      %div3A = arith.divsi %scan3A_7, %jit3A : i32
      %sign3A = arith.constant 0 : i32
      %sign3A_9 = arith.cmpi sgt, %scan3A_7, %sign3A : i32
      %sign3A_10 = arith.extui %sign3A_9 : i1 to i32
      %sign3A_11 = arith.constant 0 : i32
      %sign3A_12 = arith.cmpi slt, %scan3A_7, %sign3A_11 : i32
      %sign3A_13 = arith.extui %sign3A_12 : i1 to i32
      %sign3A_14 = arith.subi %sign3A_10, %sign3A_13 : i32
      %sign3A_15 = arith.constant 0 : i32
      %sign3A_16 = arith.cmpi sgt, %jit3A, %sign3A_15 : i32
      %sign3A_17 = arith.extui %sign3A_16 : i1 to i32
      %sign3A_18 = arith.constant 0 : i32
      %sign3A_19 = arith.cmpi slt, %jit3A, %sign3A_18 : i32
      %sign3A_20 = arith.extui %sign3A_19 : i1 to i32
      %sign3A_21 = arith.subi %sign3A_17, %sign3A_20 : i32
      %ne3A = arith.cmpi ne, %sign3A_14, %sign3A_21 : i32
      %rem3A = arith.remsi %scan3A_7, %jit3A : i32
      %ne3A_22 = arith.constant 0 : i32
      %ne3A_23 = arith.cmpi ne, %rem3A, %ne3A_22 : i32
      %and3A = arith.andi %ne3A, %ne3A_23 : i1
      %sub3A = arith.constant 1 : i32
      %sub3A_24 = arith.subi %div3A, %sub3A : i32
      %select_n3A = arith.select %and3A, %sub3A_24, %div3A : i32
      %mul3A_25 = arith.constant 3 : i32
      %mul3A_26 = arith.muli %select_n3A, %mul3A_25 : i32
      %sub3A_27 = arith.subi %scan3A_7, %mul3A_26 : i32
      %jit3A_28 = arith.constant 4 : i32
      %div3A_29 = arith.divsi %select_n3A, %jit3A_28 : i32
      %sign3A_30 = arith.constant 0 : i32
      %sign3A_31 = arith.cmpi sgt, %select_n3A, %sign3A_30 : i32
      %sign3A_32 = arith.extui %sign3A_31 : i1 to i32
      %sign3A_33 = arith.constant 0 : i32
      %sign3A_34 = arith.cmpi slt, %select_n3A, %sign3A_33 : i32
      %sign3A_35 = arith.extui %sign3A_34 : i1 to i32
      %sign3A_36 = arith.subi %sign3A_32, %sign3A_35 : i32
      %sign3A_37 = arith.constant 0 : i32
      %sign3A_38 = arith.cmpi sgt, %jit3A_28, %sign3A_37 : i32
      %sign3A_39 = arith.extui %sign3A_38 : i1 to i32
      %sign3A_40 = arith.constant 0 : i32
      %sign3A_41 = arith.cmpi slt, %jit3A_28, %sign3A_40 : i32
      %sign3A_42 = arith.extui %sign3A_41 : i1 to i32
      %sign3A_43 = arith.subi %sign3A_39, %sign3A_42 : i32
      %ne3A_44 = arith.cmpi ne, %sign3A_36, %sign3A_43 : i32
      %rem3A_45 = arith.remsi %select_n3A, %jit3A_28 : i32
      %ne3A_46 = arith.constant 0 : i32
      %ne3A_47 = arith.cmpi ne, %rem3A_45, %ne3A_46 : i32
      %and3A_48 = arith.andi %ne3A_44, %ne3A_47 : i1
      %sub3A_49 = arith.constant 1 : i32
      %sub3A_50 = arith.subi %div3A_29, %sub3A_49 : i32
      %select_n3A_51 = arith.select %and3A_48, %sub3A_50, %div3A_29 : i32
      %mul3A_52 = arith.constant 4 : i32
      %mul3A_53 = arith.muli %select_n3A_51, %mul3A_52 : i32
      %sub3A_54 = arith.subi %select_n3A, %mul3A_53 : i32
      %add3A_55 = arith.addi %sub3A_54, %sub3A_27 : i32
      %eq3A = arith.constant 5 : i32
      %eq3A_56 = arith.cmpi eq, %add3A_55, %eq3A : i32
      %sub3A_57 = arith.constant 1 : i32
      %sub3A_58 = arith.subi %add3A_55, %sub3A_57 : i32
      %max3A = arith.constant 0 : i32
      %max3A_59 = arith.maxsi %sub3A_58, %max3A : i32
      %min3A = arith.constant 3 : i32
      %min3A_60 = arith.minsi %max3A_59, %min3A : i32
      %jit3A_61 = arith.constant 0 : i32
      %select_n3A_62 = arith.select %eq3A_56, %jit3A_61, %min3A_60 : i32
      %ne3A_63 = arith.cmpi ne, %select_n3A_51, %scan3A_8 : i32
      %convert_element_type3A = arith.extui %ne3A_63 : i1 to i32
      %cond3A = arith.constant 0 : i32
      %cond3A_64 = arith.cmpi ne, %convert_element_type3A, %cond3A : i32
      scf.if %cond3A_64 {
        %mul3A_176 = arith.constant 49152 : i32
        %mul3A_177 = arith.muli %select_n3A_51, %mul3A_176 : i32
        %multiple_of3A_178 = tpu.assume_multiple %mul3A_177, 16384 : i32
        "tpu.region"() ({
          %run_scoped3A = tpu.sem_alloc : memref<!tpu.dma_semaphore, #tpu.memory_space<semaphore_mem>>
          %dma_start3A = tpu.memref_slice %arg2[%multiple_of3A_178] : memref<98304xf32, #tpu.memory_space<hbm>> -> memref<16384xf32, #tpu.memory_space<hbm>>
          %dma_start3A_183 = tpu.memref_slice %arg2[%multiple_of3A_178] : memref<98304xf32, #tpu.memory_space<hbm>> -> memref<16384xf32, #tpu.memory_space<hbm>>
          tpu.enqueue_dma source(%dma_start3A_183 : memref<16384xf32, #tpu.memory_space<hbm>>) target(%arg6 : memref<16384xf32, #tpu.memory_space<vmem>>) target_semaphore(%run_scoped3A : memref<!tpu.dma_semaphore, #tpu.memory_space<semaphore_mem>>)
          %dma_wait3A = tpu.memref_slice %arg2[%multiple_of3A_178] : memref<98304xf32, #tpu.memory_space<hbm>> -> memref<16384xf32, #tpu.memory_space<hbm>>
          %dma_wait3A_184 = tpu.memref_slice %arg2[%multiple_of3A_178] : memref<98304xf32, #tpu.memory_space<hbm>> -> memref<16384xf32, #tpu.memory_space<hbm>>
          tpu.wait_dma2 semaphore(%run_scoped3A : memref<!tpu.dma_semaphore, #tpu.memory_space<semaphore_mem>>) src(%dma_wait3A_184 : memref<16384xf32, #tpu.memory_space<hbm>>) dst(%arg6 : memref<16384xf32, #tpu.memory_space<vmem>>)
          tpu.yield
        }) : () -> ()
        %add3A_179 = arith.constant 16384 : i32
        %add3A_180 = arith.addi %multiple_of3A_178, %add3A_179 : i32
        "tpu.region"() ({
          %run_scoped3A = tpu.sem_alloc : memref<!tpu.dma_semaphore, #tpu.memory_space<semaphore_mem>>
          %dma_start3A = tpu.memref_slice %arg2[%add3A_180] : memref<98304xf32, #tpu.memory_space<hbm>> -> memref<16384xf32, #tpu.memory_space<hbm>>
          %dma_start3A_183 = tpu.memref_slice %arg2[%add3A_180] : memref<98304xf32, #tpu.memory_space<hbm>> -> memref<16384xf32, #tpu.memory_space<hbm>>
          tpu.enqueue_dma source(%dma_start3A_183 : memref<16384xf32, #tpu.memory_space<hbm>>) target(%arg7 : memref<16384xf32, #tpu.memory_space<vmem>>) target_semaphore(%run_scoped3A : memref<!tpu.dma_semaphore, #tpu.memory_space<semaphore_mem>>)
          %dma_wait3A = tpu.memref_slice %arg2[%add3A_180] : memref<98304xf32, #tpu.memory_space<hbm>> -> memref<16384xf32, #tpu.memory_space<hbm>>
          %dma_wait3A_184 = tpu.memref_slice %arg2[%add3A_180] : memref<98304xf32, #tpu.memory_space<hbm>> -> memref<16384xf32, #tpu.memory_space<hbm>>
          tpu.wait_dma2 semaphore(%run_scoped3A : memref<!tpu.dma_semaphore, #tpu.memory_space<semaphore_mem>>) src(%dma_wait3A_184 : memref<16384xf32, #tpu.memory_space<hbm>>) dst(%arg7 : memref<16384xf32, #tpu.memory_space<vmem>>)
          tpu.yield
        }) : () -> ()
        %add3A_181 = arith.constant 32768 : i32
        %add3A_182 = arith.addi %multiple_of3A_178, %add3A_181 : i32
        "tpu.region"() ({
          %run_scoped3A = tpu.sem_alloc : memref<!tpu.dma_semaphore, #tpu.memory_space<semaphore_mem>>
          %dma_start3A = tpu.memref_slice %arg2[%add3A_182] : memref<98304xf32, #tpu.memory_space<hbm>> -> memref<16384xf32, #tpu.memory_space<hbm>>
          %dma_start3A_183 = tpu.memref_slice %arg2[%add3A_182] : memref<98304xf32, #tpu.memory_space<hbm>> -> memref<16384xf32, #tpu.memory_space<hbm>>
          tpu.enqueue_dma source(%dma_start3A_183 : memref<16384xf32, #tpu.memory_space<hbm>>) target(%arg8 : memref<16384xf32, #tpu.memory_space<vmem>>) target_semaphore(%run_scoped3A : memref<!tpu.dma_semaphore, #tpu.memory_space<semaphore_mem>>)
          %dma_wait3A = tpu.memref_slice %arg2[%add3A_182] : memref<98304xf32, #tpu.memory_space<hbm>> -> memref<16384xf32, #tpu.memory_space<hbm>>
          %dma_wait3A_184 = tpu.memref_slice %arg2[%add3A_182] : memref<98304xf32, #tpu.memory_space<hbm>> -> memref<16384xf32, #tpu.memory_space<hbm>>
          tpu.wait_dma2 semaphore(%run_scoped3A : memref<!tpu.dma_semaphore, #tpu.memory_space<semaphore_mem>>) src(%dma_wait3A_184 : memref<16384xf32, #tpu.memory_space<hbm>>) dst(%arg8 : memref<16384xf32, #tpu.memory_space<vmem>>)
          tpu.yield
        }) : () -> ()
      } else {
      }
      %mul3A_65 = arith.constant 4096 : i32
      %mul3A_66 = arith.muli %select_n3A_62, %mul3A_65 : i32
      %multiple_of3A = tpu.assume_multiple %mul3A_66, 4096 : i32
      %mul3A_67 = arith.constant 1024 : i32
      %mul3A_68 = arith.muli %select_n3A, %mul3A_67 : i32
      %mul3A_69 = arith.constant 32 : i32
      %mul3A_70 = arith.muli %add3A, %mul3A_69 : i32
      %add3A_71 = arith.addi %mul3A_68, %mul3A_70 : i32
      %multiple_of3A_72 = tpu.assume_multiple %add3A_71, 32 : i32
      %broadcast_in_dim3A = arith.constant 0 : i32
      %broadcast_in_dim3A_73 = vector.broadcast %broadcast_in_dim3A : i32 to vector<16xi32>
      %swap3A = arith.constant 0 : index
      %swap3A_74 = tpu.vector_load %arg15[%swap3A] {strides = array<i32>} : memref<32xi32, #tpu.memory_space<vmem>>, vector<16xi32>,
      tpu.vector_store %arg15[%swap3A], %broadcast_in_dim3A_73 {strides = array<i32>} : memref<32xi32, #tpu.memory_space<vmem>>, vector<16xi32>,
      %broadcast_in_dim3A_75 = arith.constant 0 : i32
      %broadcast_in_dim3A_76 = vector.broadcast %broadcast_in_dim3A_75 : i32 to vector<16xi32>
      %swap3A_77 = arith.constant 16 : index
      %swap3A_78 = tpu.vector_load %arg15[%swap3A_77] {strides = array<i32>} : memref<32xi32, #tpu.memory_space<vmem>>, vector<16xi32>,
      tpu.vector_store %arg15[%swap3A_77], %broadcast_in_dim3A_76 {strides = array<i32>} : memref<32xi32, #tpu.memory_space<vmem>>, vector<16xi32>,
      %swap3A_79 = arith.constant 0 : i32
      %swap3A_80 = arith.constant 0 : i32
      %swap3A_81 = arith.index_cast %swap3A_80 : i32 to index
      %swap3A_82 = memref.load %arg16[%swap3A_81] : memref<1xi32, #tpu.memory_space<smem>>
      memref.store %swap3A_79, %arg16[%swap3A_81] : memref<1xi32, #tpu.memory_space<smem>>
      %scan3A_83 = arith.constant 0 : i32
      %scan3A_84 = arith.constant 0 : i32
      %scan3A_85 = arith.constant 256 : i32
      %scan3A_86 = arith.addi %scan3A_84, %scan3A_85 : i32
      %scan3A_87 = arith.constant 1 : i32
      scf.for %scan3A_176 = %scan3A_84 to %scan3A_86 step %scan3A_87  : i32 {
        %mul3A_177 = arith.constant 16 : i32
        %mul3A_178 = arith.muli %scan3A_176, %mul3A_177 : i32
        %get3A_179 = arith.constant 0 : i32
        %get3A_180 = arith.index_cast %get3A_179 : i32 to index
        %get3A_181 = memref.load %arg16[%get3A_180] : memref<1xi32, #tpu.memory_space<smem>>
        %lt3A = arith.constant 32 : i32
        %lt3A_182 = arith.cmpi slt, %get3A_181, %lt3A : i32
        %convert_element_type3A_183 = arith.extui %lt3A_182 : i1 to i32
        %cond3A_184 = arith.constant 0 : i32
        %cond3A_185 = arith.cmpi ne, %convert_element_type3A_183, %cond3A_184 : i32
        scf.if %cond3A_185 {
          %iota3A_186 = tpu.iota {dimensions = array<i32: 0>} : vector<16xi32>
          %mul3A_187 = arith.constant 32 : i32
          %mul3A_188 = vector.broadcast %mul3A_187 : i32 to vector<16xi32>
          %mul3A_189 = arith.muli %iota3A_186, %mul3A_188 : vector<16xi32>
          %get3A_190 = arith.index_cast %multiple_of3A_72 : i32 to index
          %get3A_191 = tpu.vector_load %arg9[%get3A_190] {strides = array<i32>} : memref<8192xf32, #tpu.memory_space<vmem>>, vector<16xf32>,
          %add3A_192 = arith.constant 16 : i32
          %add3A_193 = arith.addi %multiple_of3A_72, %add3A_192 : i32
          %get3A_194 = arith.index_cast %add3A_193 : i32 to index
          %get3A_195 = tpu.vector_load %arg9[%get3A_194] {strides = array<i32>} : memref<8192xf32, #tpu.memory_space<vmem>>, vector<16xf32>,
          %get3A_196 = arith.index_cast %multiple_of3A_72 : i32 to index
          %get3A_197 = tpu.vector_load %arg10[%get3A_196] {strides = array<i32>} : memref<8192xf32, #tpu.memory_space<vmem>>, vector<16xf32>,
          %add3A_198 = arith.constant 16 : i32
          %add3A_199 = arith.addi %multiple_of3A_72, %add3A_198 : i32
          %get3A_200 = arith.index_cast %add3A_199 : i32 to index
          %get3A_201 = tpu.vector_load %arg10[%get3A_200] {strides = array<i32>} : memref<8192xf32, #tpu.memory_space<vmem>>, vector<16xf32>,
          %get3A_202 = arith.index_cast %multiple_of3A_72 : i32 to index
          %get3A_203 = tpu.vector_load %arg11[%get3A_202] {strides = array<i32>} : memref<8192xf32, #tpu.memory_space<vmem>>, vector<16xf32>,
          %add3A_204 = arith.constant 16 : i32
          %add3A_205 = arith.addi %multiple_of3A_72, %add3A_204 : i32
          %get3A_206 = arith.index_cast %add3A_205 : i32 to index
          %get3A_207 = tpu.vector_load %arg11[%get3A_206] {strides = array<i32>} : memref<8192xf32, #tpu.memory_space<vmem>>, vector<16xf32>,
          %get3A_208 = arith.constant 0 : index
          %get3A_209 = tpu.vector_load %arg15[%get3A_208] {strides = array<i32>} : memref<32xi32, #tpu.memory_space<vmem>>, vector<16xi32>,
          %get3A_210 = arith.constant 16 : index
          %get3A_211 = tpu.vector_load %arg15[%get3A_210] {strides = array<i32>} : memref<32xi32, #tpu.memory_space<vmem>>, vector<16xi32>,
          %add3A_212 = arith.addi %multiple_of3A, %mul3A_178 : i32
          %get3A_213 = arith.index_cast %add3A_212 : i32 to index
          %get3A_214 = tpu.vector_load %arg6[%get3A_213] {strides = array<i32>} : memref<16384xf32, #tpu.memory_space<vmem>>, vector<16xf32>,
          %add3A_215 = arith.addi %multiple_of3A, %mul3A_178 : i32
          %get3A_216 = arith.index_cast %add3A_215 : i32 to index
          %get3A_217 = tpu.vector_load %arg7[%get3A_216] {strides = array<i32>} : memref<16384xf32, #tpu.memory_space<vmem>>, vector<16xf32>,
          %add3A_218 = arith.addi %multiple_of3A, %mul3A_178 : i32
          %get3A_219 = arith.index_cast %add3A_218 : i32 to index
          %get3A_220 = tpu.vector_load %arg8[%get3A_219] {strides = array<i32>} : memref<16384xf32, #tpu.memory_space<vmem>>, vector<16xf32>,
          %slice3A_221 = vector.extract_strided_slice %get3A_214 {offsets = [0], sizes = [1], strides = [1]} : vector<16xf32> to vector<1xf32>
          %squeeze3A_222 = vector.extract %slice3A_221[0] : f32 from vector<1xf32>
          %slice3A_223 = vector.extract_strided_slice %get3A_217 {offsets = [0], sizes = [1], strides = [1]} : vector<16xf32> to vector<1xf32>
          %squeeze3A_224 = vector.extract %slice3A_223[0] : f32 from vector<1xf32>
          %slice3A_225 = vector.extract_strided_slice %get3A_220 {offsets = [0], sizes = [1], strides = [1]} : vector<16xf32> to vector<1xf32>
          %squeeze3A_226 = vector.extract %slice3A_225[0] : f32 from vector<1xf32>
          %sub3A_227 = vector.broadcast %squeeze3A_222 : f32 to vector<16xf32>
          %sub3A_228 = arith.subf %sub3A_227, %get3A_191 : vector<16xf32>
          %sub3A_229 = vector.broadcast %squeeze3A_224 : f32 to vector<16xf32>
          %sub3A_230 = arith.subf %sub3A_229, %get3A_197 : vector<16xf32>
          %sub3A_231 = vector.broadcast %squeeze3A_226 : f32 to vector<16xf32>
          %sub3A_232 = arith.subf %sub3A_231, %get3A_203 : vector<16xf32>
          %mul3A_233 = arith.mulf %sub3A_228, %sub3A_228 : vector<16xf32>
          %mul3A_234 = arith.mulf %sub3A_230, %sub3A_230 : vector<16xf32>
          %add3A_235 = arith.addf %mul3A_233, %mul3A_234 : vector<16xf32>
          %mul3A_236 = arith.mulf %sub3A_232, %sub3A_232 : vector<16xf32>
          %add3A_237 = arith.addf %add3A_235, %mul3A_236 : vector<16xf32>
          %le3A = arith.constant 8.100000e-01 : f32
          %le3A_238 = vector.broadcast %le3A : f32 to vector<16xf32>
          %le3A_239 = arith.cmpf ole, %add3A_237, %le3A_238 : vector<16xf32>
          %lt3A_240 = arith.constant 32 : i32
          %lt3A_241 = vector.broadcast %lt3A_240 : i32 to vector<16xi32>
          %lt3A_242 = arith.cmpi slt, %get3A_209, %lt3A_241 : vector<16xi32>
          %and3A_243 = arith.andi %le3A_239, %lt3A_242 : vector<16xi1>
          %add3A_244 = arith.addi %mul3A_189, %get3A_209 : vector<16xi32>
          tpu.vector_store_idx %arg12[%add3A_244], %sub3A_228 masked %and3A_243 : memref<1024xf32, #tpu.memory_space<vmem>>[vector<16xi32>], vector<16xf32>, vector<16xi1>
          tpu.vector_store_idx %arg13[%add3A_244], %sub3A_230 masked %and3A_243 : memref<1024xf32, #tpu.memory_space<vmem>>[vector<16xi32>], vector<16xf32>, vector<16xi1>
          tpu.vector_store_idx %arg14[%add3A_244], %sub3A_232 masked %and3A_243 : memref<1024xf32, #tpu.memory_space<vmem>>[vector<16xi32>], vector<16xf32>, vector<16xi1>
          %jit3A_245 = arith.constant 1 : i32
          %jit3A_246 = arith.constant 0 : i32
          %broadcast_in_dim3A_247 = vector.broadcast %jit3A_245 : i32 to vector<16xi32>
          %broadcast_in_dim3A_248 = vector.broadcast %jit3A_246 : i32 to vector<16xi32>
          %select_n3A_249 = arith.select %and3A_243, %broadcast_in_dim3A_247, %broadcast_in_dim3A_248 : vector<16xi1>, vector<16xi32>
          %add3A_250 = arith.addi %get3A_209, %select_n3A_249 : vector<16xi32>
          %sub3A_251 = vector.broadcast %squeeze3A_222 : f32 to vector<16xf32>
          %sub3A_252 = arith.subf %sub3A_251, %get3A_195 : vector<16xf32>
          %sub3A_253 = vector.broadcast %squeeze3A_224 : f32 to vector<16xf32>
          %sub3A_254 = arith.subf %sub3A_253, %get3A_201 : vector<16xf32>
          %sub3A_255 = vector.broadcast %squeeze3A_226 : f32 to vector<16xf32>
          %sub3A_256 = arith.subf %sub3A_255, %get3A_207 : vector<16xf32>
          %mul3A_257 = arith.mulf %sub3A_252, %sub3A_252 : vector<16xf32>
          %mul3A_258 = arith.mulf %sub3A_254, %sub3A_254 : vector<16xf32>
          %add3A_259 = arith.addf %mul3A_257, %mul3A_258 : vector<16xf32>
          %mul3A_260 = arith.mulf %sub3A_256, %sub3A_256 : vector<16xf32>
          %add3A_261 = arith.addf %add3A_259, %mul3A_260 : vector<16xf32>
          %le3A_262 = arith.constant 8.100000e-01 : f32
          %le3A_263 = vector.broadcast %le3A_262 : f32 to vector<16xf32>
          %le3A_264 = arith.cmpf ole, %add3A_261, %le3A_263 : vector<16xf32>
          %lt3A_265 = arith.constant 32 : i32
          %lt3A_266 = vector.broadcast %lt3A_265 : i32 to vector<16xi32>
          %lt3A_267 = arith.cmpi slt, %get3A_211, %lt3A_266 : vector<16xi32>
          %and3A_268 = arith.andi %le3A_264, %lt3A_267 : vector<16xi1>
          %add3A_269 = arith.addi %mul3A_189, %get3A_211 : vector<16xi32>
          %add3A_270 = arith.constant 512 : i32
          %add3A_271 = vector.broadcast %add3A_270 : i32 to vector<16xi32>
          %add3A_272 = arith.addi %add3A_269, %add3A_271 : vector<16xi32>
          tpu.vector_store_idx %arg12[%add3A_272], %sub3A_252 masked %and3A_268 : memref<1024xf32, #tpu.memory_space<vmem>>[vector<16xi32>], vector<16xf32>, vector<16xi1>
          tpu.vector_store_idx %arg13[%add3A_272], %sub3A_254 masked %and3A_268 : memref<1024xf32, #tpu.memory_space<vmem>>[vector<16xi32>], vector<16xf32>, vector<16xi1>
          tpu.vector_store_idx %arg14[%add3A_272], %sub3A_256 masked %and3A_268 : memref<1024xf32, #tpu.memory_space<vmem>>[vector<16xi32>], vector<16xf32>, vector<16xi1>
          %jit3A_273 = arith.constant 1 : i32
          %jit3A_274 = arith.constant 0 : i32
          %broadcast_in_dim3A_275 = vector.broadcast %jit3A_273 : i32 to vector<16xi32>
          %broadcast_in_dim3A_276 = vector.broadcast %jit3A_274 : i32 to vector<16xi32>
          %select_n3A_277 = arith.select %and3A_268, %broadcast_in_dim3A_275, %broadcast_in_dim3A_276 : vector<16xi1>, vector<16xi32>
          %add3A_278 = arith.addi %get3A_211, %select_n3A_277 : vector<16xi32>
          %slice3A_279 = vector.extract_strided_slice %get3A_214 {offsets = [1], sizes = [1], strides = [1]} : vector<16xf32> to vector<1xf32>
          %squeeze3A_280 = vector.extract %slice3A_279[0] : f32 from vector<1xf32>
          %slice3A_281 = vector.extract_strided_slice %get3A_217 {offsets = [1], sizes = [1], strides = [1]} : vector<16xf32> to vector<1xf32>
          %squeeze3A_282 = vector.extract %slice3A_281[0] : f32 from vector<1xf32>
          %slice3A_283 = vector.extract_strided_slice %get3A_220 {offsets = [1], sizes = [1], strides = [1]} : vector<16xf32> to vector<1xf32>
          %squeeze3A_284 = vector.extract %slice3A_283[0] : f32 from vector<1xf32>
          %sub3A_285 = vector.broadcast %squeeze3A_280 : f32 to vector<16xf32>
          %sub3A_286 = arith.subf %sub3A_285, %get3A_191 : vector<16xf32>
          %sub3A_287 = vector.broadcast %squeeze3A_282 : f32 to vector<16xf32>
          %sub3A_288 = arith.subf %sub3A_287, %get3A_197 : vector<16xf32>
          %sub3A_289 = vector.broadcast %squeeze3A_284 : f32 to vector<16xf32>
          %sub3A_290 = arith.subf %sub3A_289, %get3A_203 : vector<16xf32>
          %mul3A_291 = arith.mulf %sub3A_286, %sub3A_286 : vector<16xf32>
          %mul3A_292 = arith.mulf %sub3A_288, %sub3A_288 : vector<16xf32>
          %add3A_293 = arith.addf %mul3A_291, %mul3A_292 : vector<16xf32>
          %mul3A_294 = arith.mulf %sub3A_290, %sub3A_290 : vector<16xf32>
          %add3A_295 = arith.addf %add3A_293, %mul3A_294 : vector<16xf32>
          %le3A_296 = arith.constant 8.100000e-01 : f32
          %le3A_297 = vector.broadcast %le3A_296 : f32 to vector<16xf32>
          %le3A_298 = arith.cmpf ole, %add3A_295, %le3A_297 : vector<16xf32>
          %lt3A_299 = arith.constant 32 : i32
          %lt3A_300 = vector.broadcast %lt3A_299 : i32 to vector<16xi32>
          %lt3A_301 = arith.cmpi slt, %add3A_250, %lt3A_300 : vector<16xi32>
          %and3A_302 = arith.andi %le3A_298, %lt3A_301 : vector<16xi1>
          %add3A_303 = arith.addi %mul3A_189, %add3A_250 : vector<16xi32>
          tpu.vector_store_idx %arg12[%add3A_303], %sub3A_286 masked %and3A_302 : memref<1024xf32, #tpu.memory_space<vmem>>[vector<16xi32>], vector<16xf32>, vector<16xi1>
          tpu.vector_store_idx %arg13[%add3A_303], %sub3A_288 masked %and3A_302 : memref<1024xf32, #tpu.memory_space<vmem>>[vector<16xi32>], vector<16xf32>, vector<16xi1>
          tpu.vector_store_idx %arg14[%add3A_303], %sub3A_290 masked %and3A_302 : memref<1024xf32, #tpu.memory_space<vmem>>[vector<16xi32>], vector<16xf32>, vector<16xi1>
          %jit3A_304 = arith.constant 1 : i32
          %jit3A_305 = arith.constant 0 : i32
          %broadcast_in_dim3A_306 = vector.broadcast %jit3A_304 : i32 to vector<16xi32>
          %broadcast_in_dim3A_307 = vector.broadcast %jit3A_305 : i32 to vector<16xi32>
          %select_n3A_308 = arith.select %and3A_302, %broadcast_in_dim3A_306, %broadcast_in_dim3A_307 : vector<16xi1>, vector<16xi32>
          %add3A_309 = arith.addi %add3A_250, %select_n3A_308 : vector<16xi32>
          %sub3A_310 = vector.broadcast %squeeze3A_280 : f32 to vector<16xf32>
          %sub3A_311 = arith.subf %sub3A_310, %get3A_195 : vector<16xf32>
          %sub3A_312 = vector.broadcast %squeeze3A_282 : f32 to vector<16xf32>
          %sub3A_313 = arith.subf %sub3A_312, %get3A_201 : vector<16xf32>
          %sub3A_314 = vector.broadcast %squeeze3A_284 : f32 to vector<16xf32>
          %sub3A_315 = arith.subf %sub3A_314, %get3A_207 : vector<16xf32>
          %mul3A_316 = arith.mulf %sub3A_311, %sub3A_311 : vector<16xf32>
          %mul3A_317 = arith.mulf %sub3A_313, %sub3A_313 : vector<16xf32>
          %add3A_318 = arith.addf %mul3A_316, %mul3A_317 : vector<16xf32>
          %mul3A_319 = arith.mulf %sub3A_315, %sub3A_315 : vector<16xf32>
          %add3A_320 = arith.addf %add3A_318, %mul3A_319 : vector<16xf32>
          %le3A_321 = arith.constant 8.100000e-01 : f32
          %le3A_322 = vector.broadcast %le3A_321 : f32 to vector<16xf32>
          %le3A_323 = arith.cmpf ole, %add3A_320, %le3A_322 : vector<16xf32>
          %lt3A_324 = arith.constant 32 : i32
          %lt3A_325 = vector.broadcast %lt3A_324 : i32 to vector<16xi32>
          %lt3A_326 = arith.cmpi slt, %add3A_278, %lt3A_325 : vector<16xi32>
          %and3A_327 = arith.andi %le3A_323, %lt3A_326 : vector<16xi1>
          %add3A_328 = arith.addi %mul3A_189, %add3A_278 : vector<16xi32>
          %add3A_329 = arith.constant 512 : i32
          %add3A_330 = vector.broadcast %add3A_329 : i32 to vector<16xi32>
          %add3A_331 = arith.addi %add3A_328, %add3A_330 : vector<16xi32>
          tpu.vector_store_idx %arg12[%add3A_331], %sub3A_311 masked %and3A_327 : memref<1024xf32, #tpu.memory_space<vmem>>[vector<16xi32>], vector<16xf32>, vector<16xi1>
          tpu.vector_store_idx %arg13[%add3A_331], %sub3A_313 masked %and3A_327 : memref<1024xf32, #tpu.memory_space<vmem>>[vector<16xi32>], vector<16xf32>, vector<16xi1>
          tpu.vector_store_idx %arg14[%add3A_331], %sub3A_315 masked %and3A_327 : memref<1024xf32, #tpu.memory_space<vmem>>[vector<16xi32>], vector<16xf32>, vector<16xi1>
          %jit3A_332 = arith.constant 1 : i32
          %jit3A_333 = arith.constant 0 : i32
          %broadcast_in_dim3A_334 = vector.broadcast %jit3A_332 : i32 to vector<16xi32>
          %broadcast_in_dim3A_335 = vector.broadcast %jit3A_333 : i32 to vector<16xi32>
          %select_n3A_336 = arith.select %and3A_327, %broadcast_in_dim3A_334, %broadcast_in_dim3A_335 : vector<16xi1>, vector<16xi32>
          %add3A_337 = arith.addi %add3A_278, %select_n3A_336 : vector<16xi32>
          %slice3A_338 = vector.extract_strided_slice %get3A_214 {offsets = [2], sizes = [1], strides = [1]} : vector<16xf32> to vector<1xf32>
          %squeeze3A_339 = vector.extract %slice3A_338[0] : f32 from vector<1xf32>
          %slice3A_340 = vector.extract_strided_slice %get3A_217 {offsets = [2], sizes = [1], strides = [1]} : vector<16xf32> to vector<1xf32>
          %squeeze3A_341 = vector.extract %slice3A_340[0] : f32 from vector<1xf32>
          %slice3A_342 = vector.extract_strided_slice %get3A_220 {offsets = [2], sizes = [1], strides = [1]} : vector<16xf32> to vector<1xf32>
          %squeeze3A_343 = vector.extract %slice3A_342[0] : f32 from vector<1xf32>
          %sub3A_344 = vector.broadcast %squeeze3A_339 : f32 to vector<16xf32>
          %sub3A_345 = arith.subf %sub3A_344, %get3A_191 : vector<16xf32>
          %sub3A_346 = vector.broadcast %squeeze3A_341 : f32 to vector<16xf32>
          %sub3A_347 = arith.subf %sub3A_346, %get3A_197 : vector<16xf32>
          %sub3A_348 = vector.broadcast %squeeze3A_343 : f32 to vector<16xf32>
          %sub3A_349 = arith.subf %sub3A_348, %get3A_203 : vector<16xf32>
          %mul3A_350 = arith.mulf %sub3A_345, %sub3A_345 : vector<16xf32>
          %mul3A_351 = arith.mulf %sub3A_347, %sub3A_347 : vector<16xf32>
          %add3A_352 = arith.addf %mul3A_350, %mul3A_351 : vector<16xf32>
          %mul3A_353 = arith.mulf %sub3A_349, %sub3A_349 : vector<16xf32>
          %add3A_354 = arith.addf %add3A_352, %mul3A_353 : vector<16xf32>
          %le3A_355 = arith.constant 8.100000e-01 : f32
          %le3A_356 = vector.broadcast %le3A_355 : f32 to vector<16xf32>
          %le3A_357 = arith.cmpf ole, %add3A_354, %le3A_356 : vector<16xf32>
          %lt3A_358 = arith.constant 32 : i32
          %lt3A_359 = vector.broadcast %lt3A_358 : i32 to vector<16xi32>
          %lt3A_360 = arith.cmpi slt, %add3A_309, %lt3A_359 : vector<16xi32>
          %and3A_361 = arith.andi %le3A_357, %lt3A_360 : vector<16xi1>
          %add3A_362 = arith.addi %mul3A_189, %add3A_309 : vector<16xi32>
          tpu.vector_store_idx %arg12[%add3A_362], %sub3A_345 masked %and3A_361 : memref<1024xf32, #tpu.memory_space<vmem>>[vector<16xi32>], vector<16xf32>, vector<16xi1>
          tpu.vector_store_idx %arg13[%add3A_362], %sub3A_347 masked %and3A_361 : memref<1024xf32, #tpu.memory_space<vmem>>[vector<16xi32>], vector<16xf32>, vector<16xi1>
          tpu.vector_store_idx %arg14[%add3A_362], %sub3A_349 masked %and3A_361 : memref<1024xf32, #tpu.memory_space<vmem>>[vector<16xi32>], vector<16xf32>, vector<16xi1>
          %jit3A_363 = arith.constant 1 : i32
          %jit3A_364 = arith.constant 0 : i32
          %broadcast_in_dim3A_365 = vector.broadcast %jit3A_363 : i32 to vector<16xi32>
          %broadcast_in_dim3A_366 = vector.broadcast %jit3A_364 : i32 to vector<16xi32>
          %select_n3A_367 = arith.select %and3A_361, %broadcast_in_dim3A_365, %broadcast_in_dim3A_366 : vector<16xi1>, vector<16xi32>
          %add3A_368 = arith.addi %add3A_309, %select_n3A_367 : vector<16xi32>
          %sub3A_369 = vector.broadcast %squeeze3A_339 : f32 to vector<16xf32>
          %sub3A_370 = arith.subf %sub3A_369, %get3A_195 : vector<16xf32>
          %sub3A_371 = vector.broadcast %squeeze3A_341 : f32 to vector<16xf32>
          %sub3A_372 = arith.subf %sub3A_371, %get3A_201 : vector<16xf32>
          %sub3A_373 = vector.broadcast %squeeze3A_343 : f32 to vector<16xf32>
          %sub3A_374 = arith.subf %sub3A_373, %get3A_207 : vector<16xf32>
          %mul3A_375 = arith.mulf %sub3A_370, %sub3A_370 : vector<16xf32>
          %mul3A_376 = arith.mulf %sub3A_372, %sub3A_372 : vector<16xf32>
          %add3A_377 = arith.addf %mul3A_375, %mul3A_376 : vector<16xf32>
          %mul3A_378 = arith.mulf %sub3A_374, %sub3A_374 : vector<16xf32>
          %add3A_379 = arith.addf %add3A_377, %mul3A_378 : vector<16xf32>
          %le3A_380 = arith.constant 8.100000e-01 : f32
          %le3A_381 = vector.broadcast %le3A_380 : f32 to vector<16xf32>
          %le3A_382 = arith.cmpf ole, %add3A_379, %le3A_381 : vector<16xf32>
          %lt3A_383 = arith.constant 32 : i32
          %lt3A_384 = vector.broadcast %lt3A_383 : i32 to vector<16xi32>
          %lt3A_385 = arith.cmpi slt, %add3A_337, %lt3A_384 : vector<16xi32>
          %and3A_386 = arith.andi %le3A_382, %lt3A_385 : vector<16xi1>
          %add3A_387 = arith.addi %mul3A_189, %add3A_337 : vector<16xi32>
          %add3A_388 = arith.constant 512 : i32
          %add3A_389 = vector.broadcast %add3A_388 : i32 to vector<16xi32>
          %add3A_390 = arith.addi %add3A_387, %add3A_389 : vector<16xi32>
          tpu.vector_store_idx %arg12[%add3A_390], %sub3A_370 masked %and3A_386 : memref<1024xf32, #tpu.memory_space<vmem>>[vector<16xi32>], vector<16xf32>, vector<16xi1>
          tpu.vector_store_idx %arg13[%add3A_390], %sub3A_372 masked %and3A_386 : memref<1024xf32, #tpu.memory_space<vmem>>[vector<16xi32>], vector<16xf32>, vector<16xi1>
          tpu.vector_store_idx %arg14[%add3A_390], %sub3A_374 masked %and3A_386 : memref<1024xf32, #tpu.memory_space<vmem>>[vector<16xi32>], vector<16xf32>, vector<16xi1>
          %jit3A_391 = arith.constant 1 : i32
          %jit3A_392 = arith.constant 0 : i32
          %broadcast_in_dim3A_393 = vector.broadcast %jit3A_391 : i32 to vector<16xi32>
          %broadcast_in_dim3A_394 = vector.broadcast %jit3A_392 : i32 to vector<16xi32>
          %select_n3A_395 = arith.select %and3A_386, %broadcast_in_dim3A_393, %broadcast_in_dim3A_394 : vector<16xi1>, vector<16xi32>
          %add3A_396 = arith.addi %add3A_337, %select_n3A_395 : vector<16xi32>
          %slice3A_397 = vector.extract_strided_slice %get3A_214 {offsets = [3], sizes = [1], strides = [1]} : vector<16xf32> to vector<1xf32>
          %squeeze3A_398 = vector.extract %slice3A_397[0] : f32 from vector<1xf32>
          %slice3A_399 = vector.extract_strided_slice %get3A_217 {offsets = [3], sizes = [1], strides = [1]} : vector<16xf32> to vector<1xf32>
          %squeeze3A_400 = vector.extract %slice3A_399[0] : f32 from vector<1xf32>
          %slice3A_401 = vector.extract_strided_slice %get3A_220 {offsets = [3], sizes = [1], strides = [1]} : vector<16xf32> to vector<1xf32>
          %squeeze3A_402 = vector.extract %slice3A_401[0] : f32 from vector<1xf32>
          %sub3A_403 = vector.broadcast %squeeze3A_398 : f32 to vector<16xf32>
          %sub3A_404 = arith.subf %sub3A_403, %get3A_191 : vector<16xf32>
          %sub3A_405 = vector.broadcast %squeeze3A_400 : f32 to vector<16xf32>
          %sub3A_406 = arith.subf %sub3A_405, %get3A_197 : vector<16xf32>
          %sub3A_407 = vector.broadcast %squeeze3A_402 : f32 to vector<16xf32>
          %sub3A_408 = arith.subf %sub3A_407, %get3A_203 : vector<16xf32>
          %mul3A_409 = arith.mulf %sub3A_404, %sub3A_404 : vector<16xf32>
          %mul3A_410 = arith.mulf %sub3A_406, %sub3A_406 : vector<16xf32>
          %add3A_411 = arith.addf %mul3A_409, %mul3A_410 : vector<16xf32>
          %mul3A_412 = arith.mulf %sub3A_408, %sub3A_408 : vector<16xf32>
          %add3A_413 = arith.addf %add3A_411, %mul3A_412 : vector<16xf32>
          %le3A_414 = arith.constant 8.100000e-01 : f32
          %le3A_415 = vector.broadcast %le3A_414 : f32 to vector<16xf32>
          %le3A_416 = arith.cmpf ole, %add3A_413, %le3A_415 : vector<16xf32>
          %lt3A_417 = arith.constant 32 : i32
          %lt3A_418 = vector.broadcast %lt3A_417 : i32 to vector<16xi32>
          %lt3A_419 = arith.cmpi slt, %add3A_368, %lt3A_418 : vector<16xi32>
          %and3A_420 = arith.andi %le3A_416, %lt3A_419 : vector<16xi1>
          %add3A_421 = arith.addi %mul3A_189, %add3A_368 : vector<16xi32>
          tpu.vector_store_idx %arg12[%add3A_421], %sub3A_404 masked %and3A_420 : memref<1024xf32, #tpu.memory_space<vmem>>[vector<16xi32>], vector<16xf32>, vector<16xi1>
          tpu.vector_store_idx %arg13[%add3A_421], %sub3A_406 masked %and3A_420 : memref<1024xf32, #tpu.memory_space<vmem>>[vector<16xi32>], vector<16xf32>, vector<16xi1>
          tpu.vector_store_idx %arg14[%add3A_421], %sub3A_408 masked %and3A_420 : memref<1024xf32, #tpu.memory_space<vmem>>[vector<16xi32>], vector<16xf32>, vector<16xi1>
          %jit3A_422 = arith.constant 1 : i32
          %jit3A_423 = arith.constant 0 : i32
          %broadcast_in_dim3A_424 = vector.broadcast %jit3A_422 : i32 to vector<16xi32>
          %broadcast_in_dim3A_425 = vector.broadcast %jit3A_423 : i32 to vector<16xi32>
          %select_n3A_426 = arith.select %and3A_420, %broadcast_in_dim3A_424, %broadcast_in_dim3A_425 : vector<16xi1>, vector<16xi32>
          %add3A_427 = arith.addi %add3A_368, %select_n3A_426 : vector<16xi32>
          %sub3A_428 = vector.broadcast %squeeze3A_398 : f32 to vector<16xf32>
          %sub3A_429 = arith.subf %sub3A_428, %get3A_195 : vector<16xf32>
          %sub3A_430 = vector.broadcast %squeeze3A_400 : f32 to vector<16xf32>
          %sub3A_431 = arith.subf %sub3A_430, %get3A_201 : vector<16xf32>
          %sub3A_432 = vector.broadcast %squeeze3A_402 : f32 to vector<16xf32>
          %sub3A_433 = arith.subf %sub3A_432, %get3A_207 : vector<16xf32>
          %mul3A_434 = arith.mulf %sub3A_429, %sub3A_429 : vector<16xf32>
          %mul3A_435 = arith.mulf %sub3A_431, %sub3A_431 : vector<16xf32>
          %add3A_436 = arith.addf %mul3A_434, %mul3A_435 : vector<16xf32>
          %mul3A_437 = arith.mulf %sub3A_433, %sub3A_433 : vector<16xf32>
          %add3A_438 = arith.addf %add3A_436, %mul3A_437 : vector<16xf32>
          %le3A_439 = arith.constant 8.100000e-01 : f32
          %le3A_440 = vector.broadcast %le3A_439 : f32 to vector<16xf32>
          %le3A_441 = arith.cmpf ole, %add3A_438, %le3A_440 : vector<16xf32>
          %lt3A_442 = arith.constant 32 : i32
          %lt3A_443 = vector.broadcast %lt3A_442 : i32 to vector<16xi32>
          %lt3A_444 = arith.cmpi slt, %add3A_396, %lt3A_443 : vector<16xi32>
          %and3A_445 = arith.andi %le3A_441, %lt3A_444 : vector<16xi1>
          %add3A_446 = arith.addi %mul3A_189, %add3A_396 : vector<16xi32>
          %add3A_447 = arith.constant 512 : i32
          %add3A_448 = vector.broadcast %add3A_447 : i32 to vector<16xi32>
          %add3A_449 = arith.addi %add3A_446, %add3A_448 : vector<16xi32>
          tpu.vector_store_idx %arg12[%add3A_449], %sub3A_429 masked %and3A_445 : memref<1024xf32, #tpu.memory_space<vmem>>[vector<16xi32>], vector<16xf32>, vector<16xi1>
          tpu.vector_store_idx %arg13[%add3A_449], %sub3A_431 masked %and3A_445 : memref<1024xf32, #tpu.memory_space<vmem>>[vector<16xi32>], vector<16xf32>, vector<16xi1>
          tpu.vector_store_idx %arg14[%add3A_449], %sub3A_433 masked %and3A_445 : memref<1024xf32, #tpu.memory_space<vmem>>[vector<16xi32>], vector<16xf32>, vector<16xi1>
          %jit3A_450 = arith.constant 1 : i32
          %jit3A_451 = arith.constant 0 : i32
          %broadcast_in_dim3A_452 = vector.broadcast %jit3A_450 : i32 to vector<16xi32>
          %broadcast_in_dim3A_453 = vector.broadcast %jit3A_451 : i32 to vector<16xi32>
          %select_n3A_454 = arith.select %and3A_445, %broadcast_in_dim3A_452, %broadcast_in_dim3A_453 : vector<16xi1>, vector<16xi32>
          %add3A_455 = arith.addi %add3A_396, %select_n3A_454 : vector<16xi32>
          %slice3A_456 = vector.extract_strided_slice %get3A_214 {offsets = [4], sizes = [1], strides = [1]} : vector<16xf32> to vector<1xf32>
          %squeeze3A_457 = vector.extract %slice3A_456[0] : f32 from vector<1xf32>
          %slice3A_458 = vector.extract_strided_slice %get3A_217 {offsets = [4], sizes = [1], strides = [1]} : vector<16xf32> to vector<1xf32>
          %squeeze3A_459 = vector.extract %slice3A_458[0] : f32 from vector<1xf32>
          %slice3A_460 = vector.extract_strided_slice %get3A_220 {offsets = [4], sizes = [1], strides = [1]} : vector<16xf32> to vector<1xf32>
          %squeeze3A_461 = vector.extract %slice3A_460[0] : f32 from vector<1xf32>
          %sub3A_462 = vector.broadcast %squeeze3A_457 : f32 to vector<16xf32>
          %sub3A_463 = arith.subf %sub3A_462, %get3A_191 : vector<16xf32>
          %sub3A_464 = vector.broadcast %squeeze3A_459 : f32 to vector<16xf32>
          %sub3A_465 = arith.subf %sub3A_464, %get3A_197 : vector<16xf32>
          %sub3A_466 = vector.broadcast %squeeze3A_461 : f32 to vector<16xf32>
          %sub3A_467 = arith.subf %sub3A_466, %get3A_203 : vector<16xf32>
          %mul3A_468 = arith.mulf %sub3A_463, %sub3A_463 : vector<16xf32>
          %mul3A_469 = arith.mulf %sub3A_465, %sub3A_465 : vector<16xf32>
          %add3A_470 = arith.addf %mul3A_468, %mul3A_469 : vector<16xf32>
          %mul3A_471 = arith.mulf %sub3A_467, %sub3A_467 : vector<16xf32>
          %add3A_472 = arith.addf %add3A_470, %mul3A_471 : vector<16xf32>
          %le3A_473 = arith.constant 8.100000e-01 : f32
          %le3A_474 = vector.broadcast %le3A_473 : f32 to vector<16xf32>
          %le3A_475 = arith.cmpf ole, %add3A_472, %le3A_474 : vector<16xf32>
          %lt3A_476 = arith.constant 32 : i32
          %lt3A_477 = vector.broadcast %lt3A_476 : i32 to vector<16xi32>
          %lt3A_478 = arith.cmpi slt, %add3A_427, %lt3A_477 : vector<16xi32>
          %and3A_479 = arith.andi %le3A_475, %lt3A_478 : vector<16xi1>
          %add3A_480 = arith.addi %mul3A_189, %add3A_427 : vector<16xi32>
          tpu.vector_store_idx %arg12[%add3A_480], %sub3A_463 masked %and3A_479 : memref<1024xf32, #tpu.memory_space<vmem>>[vector<16xi32>], vector<16xf32>, vector<16xi1>
          tpu.vector_store_idx %arg13[%add3A_480], %sub3A_465 masked %and3A_479 : memref<1024xf32, #tpu.memory_space<vmem>>[vector<16xi32>], vector<16xf32>, vector<16xi1>
          tpu.vector_store_idx %arg14[%add3A_480], %sub3A_467 masked %and3A_479 : memref<1024xf32, #tpu.memory_space<vmem>>[vector<16xi32>], vector<16xf32>, vector<16xi1>
          %jit3A_481 = arith.constant 1 : i32
          %jit3A_482 = arith.constant 0 : i32
          %broadcast_in_dim3A_483 = vector.broadcast %jit3A_481 : i32 to vector<16xi32>
          %broadcast_in_dim3A_484 = vector.broadcast %jit3A_482 : i32 to vector<16xi32>
          %select_n3A_485 = arith.select %and3A_479, %broadcast_in_dim3A_483, %broadcast_in_dim3A_484 : vector<16xi1>, vector<16xi32>
          %add3A_486 = arith.addi %add3A_427, %select_n3A_485 : vector<16xi32>
          %sub3A_487 = vector.broadcast %squeeze3A_457 : f32 to vector<16xf32>
          %sub3A_488 = arith.subf %sub3A_487, %get3A_195 : vector<16xf32>
          %sub3A_489 = vector.broadcast %squeeze3A_459 : f32 to vector<16xf32>
          %sub3A_490 = arith.subf %sub3A_489, %get3A_201 : vector<16xf32>
          %sub3A_491 = vector.broadcast %squeeze3A_461 : f32 to vector<16xf32>
          %sub3A_492 = arith.subf %sub3A_491, %get3A_207 : vector<16xf32>
          %mul3A_493 = arith.mulf %sub3A_488, %sub3A_488 : vector<16xf32>
          %mul3A_494 = arith.mulf %sub3A_490, %sub3A_490 : vector<16xf32>
          %add3A_495 = arith.addf %mul3A_493, %mul3A_494 : vector<16xf32>
          %mul3A_496 = arith.mulf %sub3A_492, %sub3A_492 : vector<16xf32>
          %add3A_497 = arith.addf %add3A_495, %mul3A_496 : vector<16xf32>
          %le3A_498 = arith.constant 8.100000e-01 : f32
          %le3A_499 = vector.broadcast %le3A_498 : f32 to vector<16xf32>
          %le3A_500 = arith.cmpf ole, %add3A_497, %le3A_499 : vector<16xf32>
          %lt3A_501 = arith.constant 32 : i32
          %lt3A_502 = vector.broadcast %lt3A_501 : i32 to vector<16xi32>
          %lt3A_503 = arith.cmpi slt, %add3A_455, %lt3A_502 : vector<16xi32>
          %and3A_504 = arith.andi %le3A_500, %lt3A_503 : vector<16xi1>
          %add3A_505 = arith.addi %mul3A_189, %add3A_455 : vector<16xi32>
          %add3A_506 = arith.constant 512 : i32
          %add3A_507 = vector.broadcast %add3A_506 : i32 to vector<16xi32>
          %add3A_508 = arith.addi %add3A_505, %add3A_507 : vector<16xi32>
          tpu.vector_store_idx %arg12[%add3A_508], %sub3A_488 masked %and3A_504 : memref<1024xf32, #tpu.memory_space<vmem>>[vector<16xi32>], vector<16xf32>, vector<16xi1>
          tpu.vector_store_idx %arg13[%add3A_508], %sub3A_490 masked %and3A_504 : memref<1024xf32, #tpu.memory_space<vmem>>[vector<16xi32>], vector<16xf32>, vector<16xi1>
          tpu.vector_store_idx %arg14[%add3A_508], %sub3A_492 masked %and3A_504 : memref<1024xf32, #tpu.memory_space<vmem>>[vector<16xi32>], vector<16xf32>, vector<16xi1>
          %jit3A_509 = arith.constant 1 : i32
          %jit3A_510 = arith.constant 0 : i32
          %broadcast_in_dim3A_511 = vector.broadcast %jit3A_509 : i32 to vector<16xi32>
          %broadcast_in_dim3A_512 = vector.broadcast %jit3A_510 : i32 to vector<16xi32>
          %select_n3A_513 = arith.select %and3A_504, %broadcast_in_dim3A_511, %broadcast_in_dim3A_512 : vector<16xi1>, vector<16xi32>
          %add3A_514 = arith.addi %add3A_455, %select_n3A_513 : vector<16xi32>
          %slice3A_515 = vector.extract_strided_slice %get3A_214 {offsets = [5], sizes = [1], strides = [1]} : vector<16xf32> to vector<1xf32>
          %squeeze3A_516 = vector.extract %slice3A_515[0] : f32 from vector<1xf32>
          %slice3A_517 = vector.extract_strided_slice %get3A_217 {offsets = [5], sizes = [1], strides = [1]} : vector<16xf32> to vector<1xf32>
          %squeeze3A_518 = vector.extract %slice3A_517[0] : f32 from vector<1xf32>
          %slice3A_519 = vector.extract_strided_slice %get3A_220 {offsets = [5], sizes = [1], strides = [1]} : vector<16xf32> to vector<1xf32>
          %squeeze3A_520 = vector.extract %slice3A_519[0] : f32 from vector<1xf32>
          %sub3A_521 = vector.broadcast %squeeze3A_516 : f32 to vector<16xf32>
          %sub3A_522 = arith.subf %sub3A_521, %get3A_191 : vector<16xf32>
          %sub3A_523 = vector.broadcast %squeeze3A_518 : f32 to vector<16xf32>
          %sub3A_524 = arith.subf %sub3A_523, %get3A_197 : vector<16xf32>
          %sub3A_525 = vector.broadcast %squeeze3A_520 : f32 to vector<16xf32>
          %sub3A_526 = arith.subf %sub3A_525, %get3A_203 : vector<16xf32>
          %mul3A_527 = arith.mulf %sub3A_522, %sub3A_522 : vector<16xf32>
          %mul3A_528 = arith.mulf %sub3A_524, %sub3A_524 : vector<16xf32>
          %add3A_529 = arith.addf %mul3A_527, %mul3A_528 : vector<16xf32>
          %mul3A_530 = arith.mulf %sub3A_526, %sub3A_526 : vector<16xf32>
          %add3A_531 = arith.addf %add3A_529, %mul3A_530 : vector<16xf32>
          %le3A_532 = arith.constant 8.100000e-01 : f32
          %le3A_533 = vector.broadcast %le3A_532 : f32 to vector<16xf32>
          %le3A_534 = arith.cmpf ole, %add3A_531, %le3A_533 : vector<16xf32>
          %lt3A_535 = arith.constant 32 : i32
          %lt3A_536 = vector.broadcast %lt3A_535 : i32 to vector<16xi32>
          %lt3A_537 = arith.cmpi slt, %add3A_486, %lt3A_536 : vector<16xi32>
          %and3A_538 = arith.andi %le3A_534, %lt3A_537 : vector<16xi1>
          %add3A_539 = arith.addi %mul3A_189, %add3A_486 : vector<16xi32>
          tpu.vector_store_idx %arg12[%add3A_539], %sub3A_522 masked %and3A_538 : memref<1024xf32, #tpu.memory_space<vmem>>[vector<16xi32>], vector<16xf32>, vector<16xi1>
          tpu.vector_store_idx %arg13[%add3A_539], %sub3A_524 masked %and3A_538 : memref<1024xf32, #tpu.memory_space<vmem>>[vector<16xi32>], vector<16xf32>, vector<16xi1>
          tpu.vector_store_idx %arg14[%add3A_539], %sub3A_526 masked %and3A_538 : memref<1024xf32, #tpu.memory_space<vmem>>[vector<16xi32>], vector<16xf32>, vector<16xi1>
          %jit3A_540 = arith.constant 1 : i32
          %jit3A_541 = arith.constant 0 : i32
          %broadcast_in_dim3A_542 = vector.broadcast %jit3A_540 : i32 to vector<16xi32>
          %broadcast_in_dim3A_543 = vector.broadcast %jit3A_541 : i32 to vector<16xi32>
          %select_n3A_544 = arith.select %and3A_538, %broadcast_in_dim3A_542, %broadcast_in_dim3A_543 : vector<16xi1>, vector<16xi32>
          %add3A_545 = arith.addi %add3A_486, %select_n3A_544 : vector<16xi32>
          %sub3A_546 = vector.broadcast %squeeze3A_516 : f32 to vector<16xf32>
          %sub3A_547 = arith.subf %sub3A_546, %get3A_195 : vector<16xf32>
          %sub3A_548 = vector.broadcast %squeeze3A_518 : f32 to vector<16xf32>
          %sub3A_549 = arith.subf %sub3A_548, %get3A_201 : vector<16xf32>
          %sub3A_550 = vector.broadcast %squeeze3A_520 : f32 to vector<16xf32>
          %sub3A_551 = arith.subf %sub3A_550, %get3A_207 : vector<16xf32>
          %mul3A_552 = arith.mulf %sub3A_547, %sub3A_547 : vector<16xf32>
          %mul3A_553 = arith.mulf %sub3A_549, %sub3A_549 : vector<16xf32>
          %add3A_554 = arith.addf %mul3A_552, %mul3A_553 : vector<16xf32>
          %mul3A_555 = arith.mulf %sub3A_551, %sub3A_551 : vector<16xf32>
          %add3A_556 = arith.addf %add3A_554, %mul3A_555 : vector<16xf32>
          %le3A_557 = arith.constant 8.100000e-01 : f32
          %le3A_558 = vector.broadcast %le3A_557 : f32 to vector<16xf32>
          %le3A_559 = arith.cmpf ole, %add3A_556, %le3A_558 : vector<16xf32>
          %lt3A_560 = arith.constant 32 : i32
          %lt3A_561 = vector.broadcast %lt3A_560 : i32 to vector<16xi32>
          %lt3A_562 = arith.cmpi slt, %add3A_514, %lt3A_561 : vector<16xi32>
          %and3A_563 = arith.andi %le3A_559, %lt3A_562 : vector<16xi1>
          %add3A_564 = arith.addi %mul3A_189, %add3A_514 : vector<16xi32>
          %add3A_565 = arith.constant 512 : i32
          %add3A_566 = vector.broadcast %add3A_565 : i32 to vector<16xi32>
          %add3A_567 = arith.addi %add3A_564, %add3A_566 : vector<16xi32>
          tpu.vector_store_idx %arg12[%add3A_567], %sub3A_547 masked %and3A_563 : memref<1024xf32, #tpu.memory_space<vmem>>[vector<16xi32>], vector<16xf32>, vector<16xi1>
          tpu.vector_store_idx %arg13[%add3A_567], %sub3A_549 masked %and3A_563 : memref<1024xf32, #tpu.memory_space<vmem>>[vector<16xi32>], vector<16xf32>, vector<16xi1>
          tpu.vector_store_idx %arg14[%add3A_567], %sub3A_551 masked %and3A_563 : memref<1024xf32, #tpu.memory_space<vmem>>[vector<16xi32>], vector<16xf32>, vector<16xi1>
          %jit3A_568 = arith.constant 1 : i32
          %jit3A_569 = arith.constant 0 : i32
          %broadcast_in_dim3A_570 = vector.broadcast %jit3A_568 : i32 to vector<16xi32>
          %broadcast_in_dim3A_571 = vector.broadcast %jit3A_569 : i32 to vector<16xi32>
          %select_n3A_572 = arith.select %and3A_563, %broadcast_in_dim3A_570, %broadcast_in_dim3A_571 : vector<16xi1>, vector<16xi32>
          %add3A_573 = arith.addi %add3A_514, %select_n3A_572 : vector<16xi32>
          %slice3A_574 = vector.extract_strided_slice %get3A_214 {offsets = [6], sizes = [1], strides = [1]} : vector<16xf32> to vector<1xf32>
          %squeeze3A_575 = vector.extract %slice3A_574[0] : f32 from vector<1xf32>
          %slice3A_576 = vector.extract_strided_slice %get3A_217 {offsets = [6], sizes = [1], strides = [1]} : vector<16xf32> to vector<1xf32>
          %squeeze3A_577 = vector.extract %slice3A_576[0] : f32 from vector<1xf32>
          %slice3A_578 = vector.extract_strided_slice %get3A_220 {offsets = [6], sizes = [1], strides = [1]} : vector<16xf32> to vector<1xf32>
          %squeeze3A_579 = vector.extract %slice3A_578[0] : f32 from vector<1xf32>
          %sub3A_580 = vector.broadcast %squeeze3A_575 : f32 to vector<16xf32>
          %sub3A_581 = arith.subf %sub3A_580, %get3A_191 : vector<16xf32>
          %sub3A_582 = vector.broadcast %squeeze3A_577 : f32 to vector<16xf32>
          %sub3A_583 = arith.subf %sub3A_582, %get3A_197 : vector<16xf32>
          %sub3A_584 = vector.broadcast %squeeze3A_579 : f32 to vector<16xf32>
          %sub3A_585 = arith.subf %sub3A_584, %get3A_203 : vector<16xf32>
          %mul3A_586 = arith.mulf %sub3A_581, %sub3A_581 : vector<16xf32>
          %mul3A_587 = arith.mulf %sub3A_583, %sub3A_583 : vector<16xf32>
          %add3A_588 = arith.addf %mul3A_586, %mul3A_587 : vector<16xf32>
          %mul3A_589 = arith.mulf %sub3A_585, %sub3A_585 : vector<16xf32>
          %add3A_590 = arith.addf %add3A_588, %mul3A_589 : vector<16xf32>
          %le3A_591 = arith.constant 8.100000e-01 : f32
          %le3A_592 = vector.broadcast %le3A_591 : f32 to vector<16xf32>
          %le3A_593 = arith.cmpf ole, %add3A_590, %le3A_592 : vector<16xf32>
          %lt3A_594 = arith.constant 32 : i32
          %lt3A_595 = vector.broadcast %lt3A_594 : i32 to vector<16xi32>
          %lt3A_596 = arith.cmpi slt, %add3A_545, %lt3A_595 : vector<16xi32>
          %and3A_597 = arith.andi %le3A_593, %lt3A_596 : vector<16xi1>
          %add3A_598 = arith.addi %mul3A_189, %add3A_545 : vector<16xi32>
          tpu.vector_store_idx %arg12[%add3A_598], %sub3A_581 masked %and3A_597 : memref<1024xf32, #tpu.memory_space<vmem>>[vector<16xi32>], vector<16xf32>, vector<16xi1>
          tpu.vector_store_idx %arg13[%add3A_598], %sub3A_583 masked %and3A_597 : memref<1024xf32, #tpu.memory_space<vmem>>[vector<16xi32>], vector<16xf32>, vector<16xi1>
          tpu.vector_store_idx %arg14[%add3A_598], %sub3A_585 masked %and3A_597 : memref<1024xf32, #tpu.memory_space<vmem>>[vector<16xi32>], vector<16xf32>, vector<16xi1>
          %jit3A_599 = arith.constant 1 : i32
          %jit3A_600 = arith.constant 0 : i32
          %broadcast_in_dim3A_601 = vector.broadcast %jit3A_599 : i32 to vector<16xi32>
          %broadcast_in_dim3A_602 = vector.broadcast %jit3A_600 : i32 to vector<16xi32>
          %select_n3A_603 = arith.select %and3A_597, %broadcast_in_dim3A_601, %broadcast_in_dim3A_602 : vector<16xi1>, vector<16xi32>
          %add3A_604 = arith.addi %add3A_545, %select_n3A_603 : vector<16xi32>
          %sub3A_605 = vector.broadcast %squeeze3A_575 : f32 to vector<16xf32>
          %sub3A_606 = arith.subf %sub3A_605, %get3A_195 : vector<16xf32>
          %sub3A_607 = vector.broadcast %squeeze3A_577 : f32 to vector<16xf32>
          %sub3A_608 = arith.subf %sub3A_607, %get3A_201 : vector<16xf32>
          %sub3A_609 = vector.broadcast %squeeze3A_579 : f32 to vector<16xf32>
          %sub3A_610 = arith.subf %sub3A_609, %get3A_207 : vector<16xf32>
          %mul3A_611 = arith.mulf %sub3A_606, %sub3A_606 : vector<16xf32>
          %mul3A_612 = arith.mulf %sub3A_608, %sub3A_608 : vector<16xf32>
          %add3A_613 = arith.addf %mul3A_611, %mul3A_612 : vector<16xf32>
          %mul3A_614 = arith.mulf %sub3A_610, %sub3A_610 : vector<16xf32>
          %add3A_615 = arith.addf %add3A_613, %mul3A_614 : vector<16xf32>
          %le3A_616 = arith.constant 8.100000e-01 : f32
          %le3A_617 = vector.broadcast %le3A_616 : f32 to vector<16xf32>
          %le3A_618 = arith.cmpf ole, %add3A_615, %le3A_617 : vector<16xf32>
          %lt3A_619 = arith.constant 32 : i32
          %lt3A_620 = vector.broadcast %lt3A_619 : i32 to vector<16xi32>
          %lt3A_621 = arith.cmpi slt, %add3A_573, %lt3A_620 : vector<16xi32>
          %and3A_622 = arith.andi %le3A_618, %lt3A_621 : vector<16xi1>
          %add3A_623 = arith.addi %mul3A_189, %add3A_573 : vector<16xi32>
          %add3A_624 = arith.constant 512 : i32
          %add3A_625 = vector.broadcast %add3A_624 : i32 to vector<16xi32>
          %add3A_626 = arith.addi %add3A_623, %add3A_625 : vector<16xi32>
          tpu.vector_store_idx %arg12[%add3A_626], %sub3A_606 masked %and3A_622 : memref<1024xf32, #tpu.memory_space<vmem>>[vector<16xi32>], vector<16xf32>, vector<16xi1>
          tpu.vector_store_idx %arg13[%add3A_626], %sub3A_608 masked %and3A_622 : memref<1024xf32, #tpu.memory_space<vmem>>[vector<16xi32>], vector<16xf32>, vector<16xi1>
          tpu.vector_store_idx %arg14[%add3A_626], %sub3A_610 masked %and3A_622 : memref<1024xf32, #tpu.memory_space<vmem>>[vector<16xi32>], vector<16xf32>, vector<16xi1>
          %jit3A_627 = arith.constant 1 : i32
          %jit3A_628 = arith.constant 0 : i32
          %broadcast_in_dim3A_629 = vector.broadcast %jit3A_627 : i32 to vector<16xi32>
          %broadcast_in_dim3A_630 = vector.broadcast %jit3A_628 : i32 to vector<16xi32>
          %select_n3A_631 = arith.select %and3A_622, %broadcast_in_dim3A_629, %broadcast_in_dim3A_630 : vector<16xi1>, vector<16xi32>
          %add3A_632 = arith.addi %add3A_573, %select_n3A_631 : vector<16xi32>
          %slice3A_633 = vector.extract_strided_slice %get3A_214 {offsets = [7], sizes = [1], strides = [1]} : vector<16xf32> to vector<1xf32>
          %squeeze3A_634 = vector.extract %slice3A_633[0] : f32 from vector<1xf32>
          %slice3A_635 = vector.extract_strided_slice %get3A_217 {offsets = [7], sizes = [1], strides = [1]} : vector<16xf32> to vector<1xf32>
          %squeeze3A_636 = vector.extract %slice3A_635[0] : f32 from vector<1xf32>
          %slice3A_637 = vector.extract_strided_slice %get3A_220 {offsets = [7], sizes = [1], strides = [1]} : vector<16xf32> to vector<1xf32>
          %squeeze3A_638 = vector.extract %slice3A_637[0] : f32 from vector<1xf32>
          %sub3A_639 = vector.broadcast %squeeze3A_634 : f32 to vector<16xf32>
          %sub3A_640 = arith.subf %sub3A_639, %get3A_191 : vector<16xf32>
          %sub3A_641 = vector.broadcast %squeeze3A_636 : f32 to vector<16xf32>
          %sub3A_642 = arith.subf %sub3A_641, %get3A_197 : vector<16xf32>
          %sub3A_643 = vector.broadcast %squeeze3A_638 : f32 to vector<16xf32>
          %sub3A_644 = arith.subf %sub3A_643, %get3A_203 : vector<16xf32>
          %mul3A_645 = arith.mulf %sub3A_640, %sub3A_640 : vector<16xf32>
          %mul3A_646 = arith.mulf %sub3A_642, %sub3A_642 : vector<16xf32>
          %add3A_647 = arith.addf %mul3A_645, %mul3A_646 : vector<16xf32>
          %mul3A_648 = arith.mulf %sub3A_644, %sub3A_644 : vector<16xf32>
          %add3A_649 = arith.addf %add3A_647, %mul3A_648 : vector<16xf32>
          %le3A_650 = arith.constant 8.100000e-01 : f32
          %le3A_651 = vector.broadcast %le3A_650 : f32 to vector<16xf32>
          %le3A_652 = arith.cmpf ole, %add3A_649, %le3A_651 : vector<16xf32>
          %lt3A_653 = arith.constant 32 : i32
          %lt3A_654 = vector.broadcast %lt3A_653 : i32 to vector<16xi32>
          %lt3A_655 = arith.cmpi slt, %add3A_604, %lt3A_654 : vector<16xi32>
          %and3A_656 = arith.andi %le3A_652, %lt3A_655 : vector<16xi1>
          %add3A_657 = arith.addi %mul3A_189, %add3A_604 : vector<16xi32>
          tpu.vector_store_idx %arg12[%add3A_657], %sub3A_640 masked %and3A_656 : memref<1024xf32, #tpu.memory_space<vmem>>[vector<16xi32>], vector<16xf32>, vector<16xi1>
          tpu.vector_store_idx %arg13[%add3A_657], %sub3A_642 masked %and3A_656 : memref<1024xf32, #tpu.memory_space<vmem>>[vector<16xi32>], vector<16xf32>, vector<16xi1>
          tpu.vector_store_idx %arg14[%add3A_657], %sub3A_644 masked %and3A_656 : memref<1024xf32, #tpu.memory_space<vmem>>[vector<16xi32>], vector<16xf32>, vector<16xi1>
          %jit3A_658 = arith.constant 1 : i32
          %jit3A_659 = arith.constant 0 : i32
          %broadcast_in_dim3A_660 = vector.broadcast %jit3A_658 : i32 to vector<16xi32>
          %broadcast_in_dim3A_661 = vector.broadcast %jit3A_659 : i32 to vector<16xi32>
          %select_n3A_662 = arith.select %and3A_656, %broadcast_in_dim3A_660, %broadcast_in_dim3A_661 : vector<16xi1>, vector<16xi32>
          %add3A_663 = arith.addi %add3A_604, %select_n3A_662 : vector<16xi32>
          %sub3A_664 = vector.broadcast %squeeze3A_634 : f32 to vector<16xf32>
          %sub3A_665 = arith.subf %sub3A_664, %get3A_195 : vector<16xf32>
          %sub3A_666 = vector.broadcast %squeeze3A_636 : f32 to vector<16xf32>
          %sub3A_667 = arith.subf %sub3A_666, %get3A_201 : vector<16xf32>
          %sub3A_668 = vector.broadcast %squeeze3A_638 : f32 to vector<16xf32>
          %sub3A_669 = arith.subf %sub3A_668, %get3A_207 : vector<16xf32>
          %mul3A_670 = arith.mulf %sub3A_665, %sub3A_665 : vector<16xf32>
          %mul3A_671 = arith.mulf %sub3A_667, %sub3A_667 : vector<16xf32>
          %add3A_672 = arith.addf %mul3A_670, %mul3A_671 : vector<16xf32>
          %mul3A_673 = arith.mulf %sub3A_669, %sub3A_669 : vector<16xf32>
          %add3A_674 = arith.addf %add3A_672, %mul3A_673 : vector<16xf32>
          %le3A_675 = arith.constant 8.100000e-01 : f32
          %le3A_676 = vector.broadcast %le3A_675 : f32 to vector<16xf32>
          %le3A_677 = arith.cmpf ole, %add3A_674, %le3A_676 : vector<16xf32>
          %lt3A_678 = arith.constant 32 : i32
          %lt3A_679 = vector.broadcast %lt3A_678 : i32 to vector<16xi32>
          %lt3A_680 = arith.cmpi slt, %add3A_632, %lt3A_679 : vector<16xi32>
          %and3A_681 = arith.andi %le3A_677, %lt3A_680 : vector<16xi1>
          %add3A_682 = arith.addi %mul3A_189, %add3A_632 : vector<16xi32>
          %add3A_683 = arith.constant 512 : i32
          %add3A_684 = vector.broadcast %add3A_683 : i32 to vector<16xi32>
          %add3A_685 = arith.addi %add3A_682, %add3A_684 : vector<16xi32>
          tpu.vector_store_idx %arg12[%add3A_685], %sub3A_665 masked %and3A_681 : memref<1024xf32, #tpu.memory_space<vmem>>[vector<16xi32>], vector<16xf32>, vector<16xi1>
          tpu.vector_store_idx %arg13[%add3A_685], %sub3A_667 masked %and3A_681 : memref<1024xf32, #tpu.memory_space<vmem>>[vector<16xi32>], vector<16xf32>, vector<16xi1>
          tpu.vector_store_idx %arg14[%add3A_685], %sub3A_669 masked %and3A_681 : memref<1024xf32, #tpu.memory_space<vmem>>[vector<16xi32>], vector<16xf32>, vector<16xi1>
          %jit3A_686 = arith.constant 1 : i32
          %jit3A_687 = arith.constant 0 : i32
          %broadcast_in_dim3A_688 = vector.broadcast %jit3A_686 : i32 to vector<16xi32>
          %broadcast_in_dim3A_689 = vector.broadcast %jit3A_687 : i32 to vector<16xi32>
          %select_n3A_690 = arith.select %and3A_681, %broadcast_in_dim3A_688, %broadcast_in_dim3A_689 : vector<16xi1>, vector<16xi32>
          %add3A_691 = arith.addi %add3A_632, %select_n3A_690 : vector<16xi32>
          %slice3A_692 = vector.extract_strided_slice %get3A_214 {offsets = [8], sizes = [1], strides = [1]} : vector<16xf32> to vector<1xf32>
          %squeeze3A_693 = vector.extract %slice3A_692[0] : f32 from vector<1xf32>
          %slice3A_694 = vector.extract_strided_slice %get3A_217 {offsets = [8], sizes = [1], strides = [1]} : vector<16xf32> to vector<1xf32>
          %squeeze3A_695 = vector.extract %slice3A_694[0] : f32 from vector<1xf32>
          %slice3A_696 = vector.extract_strided_slice %get3A_220 {offsets = [8], sizes = [1], strides = [1]} : vector<16xf32> to vector<1xf32>
          %squeeze3A_697 = vector.extract %slice3A_696[0] : f32 from vector<1xf32>
          %sub3A_698 = vector.broadcast %squeeze3A_693 : f32 to vector<16xf32>
          %sub3A_699 = arith.subf %sub3A_698, %get3A_191 : vector<16xf32>
          %sub3A_700 = vector.broadcast %squeeze3A_695 : f32 to vector<16xf32>
          %sub3A_701 = arith.subf %sub3A_700, %get3A_197 : vector<16xf32>
          %sub3A_702 = vector.broadcast %squeeze3A_697 : f32 to vector<16xf32>
          %sub3A_703 = arith.subf %sub3A_702, %get3A_203 : vector<16xf32>
          %mul3A_704 = arith.mulf %sub3A_699, %sub3A_699 : vector<16xf32>
          %mul3A_705 = arith.mulf %sub3A_701, %sub3A_701 : vector<16xf32>
          %add3A_706 = arith.addf %mul3A_704, %mul3A_705 : vector<16xf32>
          %mul3A_707 = arith.mulf %sub3A_703, %sub3A_703 : vector<16xf32>
          %add3A_708 = arith.addf %add3A_706, %mul3A_707 : vector<16xf32>
          %le3A_709 = arith.constant 8.100000e-01 : f32
          %le3A_710 = vector.broadcast %le3A_709 : f32 to vector<16xf32>
          %le3A_711 = arith.cmpf ole, %add3A_708, %le3A_710 : vector<16xf32>
          %lt3A_712 = arith.constant 32 : i32
          %lt3A_713 = vector.broadcast %lt3A_712 : i32 to vector<16xi32>
          %lt3A_714 = arith.cmpi slt, %add3A_663, %lt3A_713 : vector<16xi32>
          %and3A_715 = arith.andi %le3A_711, %lt3A_714 : vector<16xi1>
          %add3A_716 = arith.addi %mul3A_189, %add3A_663 : vector<16xi32>
          tpu.vector_store_idx %arg12[%add3A_716], %sub3A_699 masked %and3A_715 : memref<1024xf32, #tpu.memory_space<vmem>>[vector<16xi32>], vector<16xf32>, vector<16xi1>
          tpu.vector_store_idx %arg13[%add3A_716], %sub3A_701 masked %and3A_715 : memref<1024xf32, #tpu.memory_space<vmem>>[vector<16xi32>], vector<16xf32>, vector<16xi1>
          tpu.vector_store_idx %arg14[%add3A_716], %sub3A_703 masked %and3A_715 : memref<1024xf32, #tpu.memory_space<vmem>>[vector<16xi32>], vector<16xf32>, vector<16xi1>
          %jit3A_717 = arith.constant 1 : i32
          %jit3A_718 = arith.constant 0 : i32
          %broadcast_in_dim3A_719 = vector.broadcast %jit3A_717 : i32 to vector<16xi32>
          %broadcast_in_dim3A_720 = vector.broadcast %jit3A_718 : i32 to vector<16xi32>
          %select_n3A_721 = arith.select %and3A_715, %broadcast_in_dim3A_719, %broadcast_in_dim3A_720 : vector<16xi1>, vector<16xi32>
          %add3A_722 = arith.addi %add3A_663, %select_n3A_721 : vector<16xi32>
          %sub3A_723 = vector.broadcast %squeeze3A_693 : f32 to vector<16xf32>
          %sub3A_724 = arith.subf %sub3A_723, %get3A_195 : vector<16xf32>
          %sub3A_725 = vector.broadcast %squeeze3A_695 : f32 to vector<16xf32>
          %sub3A_726 = arith.subf %sub3A_725, %get3A_201 : vector<16xf32>
          %sub3A_727 = vector.broadcast %squeeze3A_697 : f32 to vector<16xf32>
          %sub3A_728 = arith.subf %sub3A_727, %get3A_207 : vector<16xf32>
          %mul3A_729 = arith.mulf %sub3A_724, %sub3A_724 : vector<16xf32>
          %mul3A_730 = arith.mulf %sub3A_726, %sub3A_726 : vector<16xf32>
          %add3A_731 = arith.addf %mul3A_729, %mul3A_730 : vector<16xf32>
          %mul3A_732 = arith.mulf %sub3A_728, %sub3A_728 : vector<16xf32>
          %add3A_733 = arith.addf %add3A_731, %mul3A_732 : vector<16xf32>
          %le3A_734 = arith.constant 8.100000e-01 : f32
          %le3A_735 = vector.broadcast %le3A_734 : f32 to vector<16xf32>
          %le3A_736 = arith.cmpf ole, %add3A_733, %le3A_735 : vector<16xf32>
          %lt3A_737 = arith.constant 32 : i32
          %lt3A_738 = vector.broadcast %lt3A_737 : i32 to vector<16xi32>
          %lt3A_739 = arith.cmpi slt, %add3A_691, %lt3A_738 : vector<16xi32>
          %and3A_740 = arith.andi %le3A_736, %lt3A_739 : vector<16xi1>
          %add3A_741 = arith.addi %mul3A_189, %add3A_691 : vector<16xi32>
          %add3A_742 = arith.constant 512 : i32
          %add3A_743 = vector.broadcast %add3A_742 : i32 to vector<16xi32>
          %add3A_744 = arith.addi %add3A_741, %add3A_743 : vector<16xi32>
          tpu.vector_store_idx %arg12[%add3A_744], %sub3A_724 masked %and3A_740 : memref<1024xf32, #tpu.memory_space<vmem>>[vector<16xi32>], vector<16xf32>, vector<16xi1>
          tpu.vector_store_idx %arg13[%add3A_744], %sub3A_726 masked %and3A_740 : memref<1024xf32, #tpu.memory_space<vmem>>[vector<16xi32>], vector<16xf32>, vector<16xi1>
          tpu.vector_store_idx %arg14[%add3A_744], %sub3A_728 masked %and3A_740 : memref<1024xf32, #tpu.memory_space<vmem>>[vector<16xi32>], vector<16xf32>, vector<16xi1>
          %jit3A_745 = arith.constant 1 : i32
          %jit3A_746 = arith.constant 0 : i32
          %broadcast_in_dim3A_747 = vector.broadcast %jit3A_745 : i32 to vector<16xi32>
          %broadcast_in_dim3A_748 = vector.broadcast %jit3A_746 : i32 to vector<16xi32>
          %select_n3A_749 = arith.select %and3A_740, %broadcast_in_dim3A_747, %broadcast_in_dim3A_748 : vector<16xi1>, vector<16xi32>
          %add3A_750 = arith.addi %add3A_691, %select_n3A_749 : vector<16xi32>
          %slice3A_751 = vector.extract_strided_slice %get3A_214 {offsets = [9], sizes = [1], strides = [1]} : vector<16xf32> to vector<1xf32>
          %squeeze3A_752 = vector.extract %slice3A_751[0] : f32 from vector<1xf32>
          %slice3A_753 = vector.extract_strided_slice %get3A_217 {offsets = [9], sizes = [1], strides = [1]} : vector<16xf32> to vector<1xf32>
          %squeeze3A_754 = vector.extract %slice3A_753[0] : f32 from vector<1xf32>
          %slice3A_755 = vector.extract_strided_slice %get3A_220 {offsets = [9], sizes = [1], strides = [1]} : vector<16xf32> to vector<1xf32>
          %squeeze3A_756 = vector.extract %slice3A_755[0] : f32 from vector<1xf32>
          %sub3A_757 = vector.broadcast %squeeze3A_752 : f32 to vector<16xf32>
          %sub3A_758 = arith.subf %sub3A_757, %get3A_191 : vector<16xf32>
          %sub3A_759 = vector.broadcast %squeeze3A_754 : f32 to vector<16xf32>
          %sub3A_760 = arith.subf %sub3A_759, %get3A_197 : vector<16xf32>
          %sub3A_761 = vector.broadcast %squeeze3A_756 : f32 to vector<16xf32>
          %sub3A_762 = arith.subf %sub3A_761, %get3A_203 : vector<16xf32>
          %mul3A_763 = arith.mulf %sub3A_758, %sub3A_758 : vector<16xf32>
          %mul3A_764 = arith.mulf %sub3A_760, %sub3A_760 : vector<16xf32>
          %add3A_765 = arith.addf %mul3A_763, %mul3A_764 : vector<16xf32>
          %mul3A_766 = arith.mulf %sub3A_762, %sub3A_762 : vector<16xf32>
          %add3A_767 = arith.addf %add3A_765, %mul3A_766 : vector<16xf32>
          %le3A_768 = arith.constant 8.100000e-01 : f32
          %le3A_769 = vector.broadcast %le3A_768 : f32 to vector<16xf32>
          %le3A_770 = arith.cmpf ole, %add3A_767, %le3A_769 : vector<16xf32>
          %lt3A_771 = arith.constant 32 : i32
          %lt3A_772 = vector.broadcast %lt3A_771 : i32 to vector<16xi32>
          %lt3A_773 = arith.cmpi slt, %add3A_722, %lt3A_772 : vector<16xi32>
          %and3A_774 = arith.andi %le3A_770, %lt3A_773 : vector<16xi1>
          %add3A_775 = arith.addi %mul3A_189, %add3A_722 : vector<16xi32>
          tpu.vector_store_idx %arg12[%add3A_775], %sub3A_758 masked %and3A_774 : memref<1024xf32, #tpu.memory_space<vmem>>[vector<16xi32>], vector<16xf32>, vector<16xi1>
          tpu.vector_store_idx %arg13[%add3A_775], %sub3A_760 masked %and3A_774 : memref<1024xf32, #tpu.memory_space<vmem>>[vector<16xi32>], vector<16xf32>, vector<16xi1>
          tpu.vector_store_idx %arg14[%add3A_775], %sub3A_762 masked %and3A_774 : memref<1024xf32, #tpu.memory_space<vmem>>[vector<16xi32>], vector<16xf32>, vector<16xi1>
          %jit3A_776 = arith.constant 1 : i32
          %jit3A_777 = arith.constant 0 : i32
          %broadcast_in_dim3A_778 = vector.broadcast %jit3A_776 : i32 to vector<16xi32>
          %broadcast_in_dim3A_779 = vector.broadcast %jit3A_777 : i32 to vector<16xi32>
          %select_n3A_780 = arith.select %and3A_774, %broadcast_in_dim3A_778, %broadcast_in_dim3A_779 : vector<16xi1>, vector<16xi32>
          %add3A_781 = arith.addi %add3A_722, %select_n3A_780 : vector<16xi32>
          %sub3A_782 = vector.broadcast %squeeze3A_752 : f32 to vector<16xf32>
          %sub3A_783 = arith.subf %sub3A_782, %get3A_195 : vector<16xf32>
          %sub3A_784 = vector.broadcast %squeeze3A_754 : f32 to vector<16xf32>
          %sub3A_785 = arith.subf %sub3A_784, %get3A_201 : vector<16xf32>
          %sub3A_786 = vector.broadcast %squeeze3A_756 : f32 to vector<16xf32>
          %sub3A_787 = arith.subf %sub3A_786, %get3A_207 : vector<16xf32>
          %mul3A_788 = arith.mulf %sub3A_783, %sub3A_783 : vector<16xf32>
          %mul3A_789 = arith.mulf %sub3A_785, %sub3A_785 : vector<16xf32>
          %add3A_790 = arith.addf %mul3A_788, %mul3A_789 : vector<16xf32>
          %mul3A_791 = arith.mulf %sub3A_787, %sub3A_787 : vector<16xf32>
          %add3A_792 = arith.addf %add3A_790, %mul3A_791 : vector<16xf32>
          %le3A_793 = arith.constant 8.100000e-01 : f32
          %le3A_794 = vector.broadcast %le3A_793 : f32 to vector<16xf32>
          %le3A_795 = arith.cmpf ole, %add3A_792, %le3A_794 : vector<16xf32>
          %lt3A_796 = arith.constant 32 : i32
          %lt3A_797 = vector.broadcast %lt3A_796 : i32 to vector<16xi32>
          %lt3A_798 = arith.cmpi slt, %add3A_750, %lt3A_797 : vector<16xi32>
          %and3A_799 = arith.andi %le3A_795, %lt3A_798 : vector<16xi1>
          %add3A_800 = arith.addi %mul3A_189, %add3A_750 : vector<16xi32>
          %add3A_801 = arith.constant 512 : i32
          %add3A_802 = vector.broadcast %add3A_801 : i32 to vector<16xi32>
          %add3A_803 = arith.addi %add3A_800, %add3A_802 : vector<16xi32>
          tpu.vector_store_idx %arg12[%add3A_803], %sub3A_783 masked %and3A_799 : memref<1024xf32, #tpu.memory_space<vmem>>[vector<16xi32>], vector<16xf32>, vector<16xi1>
          tpu.vector_store_idx %arg13[%add3A_803], %sub3A_785 masked %and3A_799 : memref<1024xf32, #tpu.memory_space<vmem>>[vector<16xi32>], vector<16xf32>, vector<16xi1>
          tpu.vector_store_idx %arg14[%add3A_803], %sub3A_787 masked %and3A_799 : memref<1024xf32, #tpu.memory_space<vmem>>[vector<16xi32>], vector<16xf32>, vector<16xi1>
          %jit3A_804 = arith.constant 1 : i32
          %jit3A_805 = arith.constant 0 : i32
          %broadcast_in_dim3A_806 = vector.broadcast %jit3A_804 : i32 to vector<16xi32>
          %broadcast_in_dim3A_807 = vector.broadcast %jit3A_805 : i32 to vector<16xi32>
          %select_n3A_808 = arith.select %and3A_799, %broadcast_in_dim3A_806, %broadcast_in_dim3A_807 : vector<16xi1>, vector<16xi32>
          %add3A_809 = arith.addi %add3A_750, %select_n3A_808 : vector<16xi32>
          %slice3A_810 = vector.extract_strided_slice %get3A_214 {offsets = [10], sizes = [1], strides = [1]} : vector<16xf32> to vector<1xf32>
          %squeeze3A_811 = vector.extract %slice3A_810[0] : f32 from vector<1xf32>
          %slice3A_812 = vector.extract_strided_slice %get3A_217 {offsets = [10], sizes = [1], strides = [1]} : vector<16xf32> to vector<1xf32>
          %squeeze3A_813 = vector.extract %slice3A_812[0] : f32 from vector<1xf32>
          %slice3A_814 = vector.extract_strided_slice %get3A_220 {offsets = [10], sizes = [1], strides = [1]} : vector<16xf32> to vector<1xf32>
          %squeeze3A_815 = vector.extract %slice3A_814[0] : f32 from vector<1xf32>
          %sub3A_816 = vector.broadcast %squeeze3A_811 : f32 to vector<16xf32>
          %sub3A_817 = arith.subf %sub3A_816, %get3A_191 : vector<16xf32>
          %sub3A_818 = vector.broadcast %squeeze3A_813 : f32 to vector<16xf32>
          %sub3A_819 = arith.subf %sub3A_818, %get3A_197 : vector<16xf32>
          %sub3A_820 = vector.broadcast %squeeze3A_815 : f32 to vector<16xf32>
          %sub3A_821 = arith.subf %sub3A_820, %get3A_203 : vector<16xf32>
          %mul3A_822 = arith.mulf %sub3A_817, %sub3A_817 : vector<16xf32>
          %mul3A_823 = arith.mulf %sub3A_819, %sub3A_819 : vector<16xf32>
          %add3A_824 = arith.addf %mul3A_822, %mul3A_823 : vector<16xf32>
          %mul3A_825 = arith.mulf %sub3A_821, %sub3A_821 : vector<16xf32>
          %add3A_826 = arith.addf %add3A_824, %mul3A_825 : vector<16xf32>
          %le3A_827 = arith.constant 8.100000e-01 : f32
          %le3A_828 = vector.broadcast %le3A_827 : f32 to vector<16xf32>
          %le3A_829 = arith.cmpf ole, %add3A_826, %le3A_828 : vector<16xf32>
          %lt3A_830 = arith.constant 32 : i32
          %lt3A_831 = vector.broadcast %lt3A_830 : i32 to vector<16xi32>
          %lt3A_832 = arith.cmpi slt, %add3A_781, %lt3A_831 : vector<16xi32>
          %and3A_833 = arith.andi %le3A_829, %lt3A_832 : vector<16xi1>
          %add3A_834 = arith.addi %mul3A_189, %add3A_781 : vector<16xi32>
          tpu.vector_store_idx %arg12[%add3A_834], %sub3A_817 masked %and3A_833 : memref<1024xf32, #tpu.memory_space<vmem>>[vector<16xi32>], vector<16xf32>, vector<16xi1>
          tpu.vector_store_idx %arg13[%add3A_834], %sub3A_819 masked %and3A_833 : memref<1024xf32, #tpu.memory_space<vmem>>[vector<16xi32>], vector<16xf32>, vector<16xi1>
          tpu.vector_store_idx %arg14[%add3A_834], %sub3A_821 masked %and3A_833 : memref<1024xf32, #tpu.memory_space<vmem>>[vector<16xi32>], vector<16xf32>, vector<16xi1>
          %jit3A_835 = arith.constant 1 : i32
          %jit3A_836 = arith.constant 0 : i32
          %broadcast_in_dim3A_837 = vector.broadcast %jit3A_835 : i32 to vector<16xi32>
          %broadcast_in_dim3A_838 = vector.broadcast %jit3A_836 : i32 to vector<16xi32>
          %select_n3A_839 = arith.select %and3A_833, %broadcast_in_dim3A_837, %broadcast_in_dim3A_838 : vector<16xi1>, vector<16xi32>
          %add3A_840 = arith.addi %add3A_781, %select_n3A_839 : vector<16xi32>
          %sub3A_841 = vector.broadcast %squeeze3A_811 : f32 to vector<16xf32>
          %sub3A_842 = arith.subf %sub3A_841, %get3A_195 : vector<16xf32>
          %sub3A_843 = vector.broadcast %squeeze3A_813 : f32 to vector<16xf32>
          %sub3A_844 = arith.subf %sub3A_843, %get3A_201 : vector<16xf32>
          %sub3A_845 = vector.broadcast %squeeze3A_815 : f32 to vector<16xf32>
          %sub3A_846 = arith.subf %sub3A_845, %get3A_207 : vector<16xf32>
          %mul3A_847 = arith.mulf %sub3A_842, %sub3A_842 : vector<16xf32>
          %mul3A_848 = arith.mulf %sub3A_844, %sub3A_844 : vector<16xf32>
          %add3A_849 = arith.addf %mul3A_847, %mul3A_848 : vector<16xf32>
          %mul3A_850 = arith.mulf %sub3A_846, %sub3A_846 : vector<16xf32>
          %add3A_851 = arith.addf %add3A_849, %mul3A_850 : vector<16xf32>
          %le3A_852 = arith.constant 8.100000e-01 : f32
          %le3A_853 = vector.broadcast %le3A_852 : f32 to vector<16xf32>
          %le3A_854 = arith.cmpf ole, %add3A_851, %le3A_853 : vector<16xf32>
          %lt3A_855 = arith.constant 32 : i32
          %lt3A_856 = vector.broadcast %lt3A_855 : i32 to vector<16xi32>
          %lt3A_857 = arith.cmpi slt, %add3A_809, %lt3A_856 : vector<16xi32>
          %and3A_858 = arith.andi %le3A_854, %lt3A_857 : vector<16xi1>
          %add3A_859 = arith.addi %mul3A_189, %add3A_809 : vector<16xi32>
          %add3A_860 = arith.constant 512 : i32
          %add3A_861 = vector.broadcast %add3A_860 : i32 to vector<16xi32>
          %add3A_862 = arith.addi %add3A_859, %add3A_861 : vector<16xi32>
          tpu.vector_store_idx %arg12[%add3A_862], %sub3A_842 masked %and3A_858 : memref<1024xf32, #tpu.memory_space<vmem>>[vector<16xi32>], vector<16xf32>, vector<16xi1>
          tpu.vector_store_idx %arg13[%add3A_862], %sub3A_844 masked %and3A_858 : memref<1024xf32, #tpu.memory_space<vmem>>[vector<16xi32>], vector<16xf32>, vector<16xi1>
          tpu.vector_store_idx %arg14[%add3A_862], %sub3A_846 masked %and3A_858 : memref<1024xf32, #tpu.memory_space<vmem>>[vector<16xi32>], vector<16xf32>, vector<16xi1>
          %jit3A_863 = arith.constant 1 : i32
          %jit3A_864 = arith.constant 0 : i32
          %broadcast_in_dim3A_865 = vector.broadcast %jit3A_863 : i32 to vector<16xi32>
          %broadcast_in_dim3A_866 = vector.broadcast %jit3A_864 : i32 to vector<16xi32>
          %select_n3A_867 = arith.select %and3A_858, %broadcast_in_dim3A_865, %broadcast_in_dim3A_866 : vector<16xi1>, vector<16xi32>
          %add3A_868 = arith.addi %add3A_809, %select_n3A_867 : vector<16xi32>
          %slice3A_869 = vector.extract_strided_slice %get3A_214 {offsets = [11], sizes = [1], strides = [1]} : vector<16xf32> to vector<1xf32>
          %squeeze3A_870 = vector.extract %slice3A_869[0] : f32 from vector<1xf32>
          %slice3A_871 = vector.extract_strided_slice %get3A_217 {offsets = [11], sizes = [1], strides = [1]} : vector<16xf32> to vector<1xf32>
          %squeeze3A_872 = vector.extract %slice3A_871[0] : f32 from vector<1xf32>
          %slice3A_873 = vector.extract_strided_slice %get3A_220 {offsets = [11], sizes = [1], strides = [1]} : vector<16xf32> to vector<1xf32>
          %squeeze3A_874 = vector.extract %slice3A_873[0] : f32 from vector<1xf32>
          %sub3A_875 = vector.broadcast %squeeze3A_870 : f32 to vector<16xf32>
          %sub3A_876 = arith.subf %sub3A_875, %get3A_191 : vector<16xf32>
          %sub3A_877 = vector.broadcast %squeeze3A_872 : f32 to vector<16xf32>
          %sub3A_878 = arith.subf %sub3A_877, %get3A_197 : vector<16xf32>
          %sub3A_879 = vector.broadcast %squeeze3A_874 : f32 to vector<16xf32>
          %sub3A_880 = arith.subf %sub3A_879, %get3A_203 : vector<16xf32>
          %mul3A_881 = arith.mulf %sub3A_876, %sub3A_876 : vector<16xf32>
          %mul3A_882 = arith.mulf %sub3A_878, %sub3A_878 : vector<16xf32>
          %add3A_883 = arith.addf %mul3A_881, %mul3A_882 : vector<16xf32>
          %mul3A_884 = arith.mulf %sub3A_880, %sub3A_880 : vector<16xf32>
          %add3A_885 = arith.addf %add3A_883, %mul3A_884 : vector<16xf32>
          %le3A_886 = arith.constant 8.100000e-01 : f32
          %le3A_887 = vector.broadcast %le3A_886 : f32 to vector<16xf32>
          %le3A_888 = arith.cmpf ole, %add3A_885, %le3A_887 : vector<16xf32>
          %lt3A_889 = arith.constant 32 : i32
          %lt3A_890 = vector.broadcast %lt3A_889 : i32 to vector<16xi32>
          %lt3A_891 = arith.cmpi slt, %add3A_840, %lt3A_890 : vector<16xi32>
          %and3A_892 = arith.andi %le3A_888, %lt3A_891 : vector<16xi1>
          %add3A_893 = arith.addi %mul3A_189, %add3A_840 : vector<16xi32>
          tpu.vector_store_idx %arg12[%add3A_893], %sub3A_876 masked %and3A_892 : memref<1024xf32, #tpu.memory_space<vmem>>[vector<16xi32>], vector<16xf32>, vector<16xi1>
          tpu.vector_store_idx %arg13[%add3A_893], %sub3A_878 masked %and3A_892 : memref<1024xf32, #tpu.memory_space<vmem>>[vector<16xi32>], vector<16xf32>, vector<16xi1>
          tpu.vector_store_idx %arg14[%add3A_893], %sub3A_880 masked %and3A_892 : memref<1024xf32, #tpu.memory_space<vmem>>[vector<16xi32>], vector<16xf32>, vector<16xi1>
          %jit3A_894 = arith.constant 1 : i32
          %jit3A_895 = arith.constant 0 : i32
          %broadcast_in_dim3A_896 = vector.broadcast %jit3A_894 : i32 to vector<16xi32>
          %broadcast_in_dim3A_897 = vector.broadcast %jit3A_895 : i32 to vector<16xi32>
          %select_n3A_898 = arith.select %and3A_892, %broadcast_in_dim3A_896, %broadcast_in_dim3A_897 : vector<16xi1>, vector<16xi32>
          %add3A_899 = arith.addi %add3A_840, %select_n3A_898 : vector<16xi32>
          %sub3A_900 = vector.broadcast %squeeze3A_870 : f32 to vector<16xf32>
          %sub3A_901 = arith.subf %sub3A_900, %get3A_195 : vector<16xf32>
          %sub3A_902 = vector.broadcast %squeeze3A_872 : f32 to vector<16xf32>
          %sub3A_903 = arith.subf %sub3A_902, %get3A_201 : vector<16xf32>
          %sub3A_904 = vector.broadcast %squeeze3A_874 : f32 to vector<16xf32>
          %sub3A_905 = arith.subf %sub3A_904, %get3A_207 : vector<16xf32>
          %mul3A_906 = arith.mulf %sub3A_901, %sub3A_901 : vector<16xf32>
          %mul3A_907 = arith.mulf %sub3A_903, %sub3A_903 : vector<16xf32>
          %add3A_908 = arith.addf %mul3A_906, %mul3A_907 : vector<16xf32>
          %mul3A_909 = arith.mulf %sub3A_905, %sub3A_905 : vector<16xf32>
          %add3A_910 = arith.addf %add3A_908, %mul3A_909 : vector<16xf32>
          %le3A_911 = arith.constant 8.100000e-01 : f32
          %le3A_912 = vector.broadcast %le3A_911 : f32 to vector<16xf32>
          %le3A_913 = arith.cmpf ole, %add3A_910, %le3A_912 : vector<16xf32>
          %lt3A_914 = arith.constant 32 : i32
          %lt3A_915 = vector.broadcast %lt3A_914 : i32 to vector<16xi32>
          %lt3A_916 = arith.cmpi slt, %add3A_868, %lt3A_915 : vector<16xi32>
          %and3A_917 = arith.andi %le3A_913, %lt3A_916 : vector<16xi1>
          %add3A_918 = arith.addi %mul3A_189, %add3A_868 : vector<16xi32>
          %add3A_919 = arith.constant 512 : i32
          %add3A_920 = vector.broadcast %add3A_919 : i32 to vector<16xi32>
          %add3A_921 = arith.addi %add3A_918, %add3A_920 : vector<16xi32>
          tpu.vector_store_idx %arg12[%add3A_921], %sub3A_901 masked %and3A_917 : memref<1024xf32, #tpu.memory_space<vmem>>[vector<16xi32>], vector<16xf32>, vector<16xi1>
          tpu.vector_store_idx %arg13[%add3A_921], %sub3A_903 masked %and3A_917 : memref<1024xf32, #tpu.memory_space<vmem>>[vector<16xi32>], vector<16xf32>, vector<16xi1>
          tpu.vector_store_idx %arg14[%add3A_921], %sub3A_905 masked %and3A_917 : memref<1024xf32, #tpu.memory_space<vmem>>[vector<16xi32>], vector<16xf32>, vector<16xi1>
          %jit3A_922 = arith.constant 1 : i32
          %jit3A_923 = arith.constant 0 : i32
          %broadcast_in_dim3A_924 = vector.broadcast %jit3A_922 : i32 to vector<16xi32>
          %broadcast_in_dim3A_925 = vector.broadcast %jit3A_923 : i32 to vector<16xi32>
          %select_n3A_926 = arith.select %and3A_917, %broadcast_in_dim3A_924, %broadcast_in_dim3A_925 : vector<16xi1>, vector<16xi32>
          %add3A_927 = arith.addi %add3A_868, %select_n3A_926 : vector<16xi32>
          %slice3A_928 = vector.extract_strided_slice %get3A_214 {offsets = [12], sizes = [1], strides = [1]} : vector<16xf32> to vector<1xf32>
          %squeeze3A_929 = vector.extract %slice3A_928[0] : f32 from vector<1xf32>
          %slice3A_930 = vector.extract_strided_slice %get3A_217 {offsets = [12], sizes = [1], strides = [1]} : vector<16xf32> to vector<1xf32>
          %squeeze3A_931 = vector.extract %slice3A_930[0] : f32 from vector<1xf32>
          %slice3A_932 = vector.extract_strided_slice %get3A_220 {offsets = [12], sizes = [1], strides = [1]} : vector<16xf32> to vector<1xf32>
          %squeeze3A_933 = vector.extract %slice3A_932[0] : f32 from vector<1xf32>
          %sub3A_934 = vector.broadcast %squeeze3A_929 : f32 to vector<16xf32>
          %sub3A_935 = arith.subf %sub3A_934, %get3A_191 : vector<16xf32>
          %sub3A_936 = vector.broadcast %squeeze3A_931 : f32 to vector<16xf32>
          %sub3A_937 = arith.subf %sub3A_936, %get3A_197 : vector<16xf32>
          %sub3A_938 = vector.broadcast %squeeze3A_933 : f32 to vector<16xf32>
          %sub3A_939 = arith.subf %sub3A_938, %get3A_203 : vector<16xf32>
          %mul3A_940 = arith.mulf %sub3A_935, %sub3A_935 : vector<16xf32>
          %mul3A_941 = arith.mulf %sub3A_937, %sub3A_937 : vector<16xf32>
          %add3A_942 = arith.addf %mul3A_940, %mul3A_941 : vector<16xf32>
          %mul3A_943 = arith.mulf %sub3A_939, %sub3A_939 : vector<16xf32>
          %add3A_944 = arith.addf %add3A_942, %mul3A_943 : vector<16xf32>
          %le3A_945 = arith.constant 8.100000e-01 : f32
          %le3A_946 = vector.broadcast %le3A_945 : f32 to vector<16xf32>
          %le3A_947 = arith.cmpf ole, %add3A_944, %le3A_946 : vector<16xf32>
          %lt3A_948 = arith.constant 32 : i32
          %lt3A_949 = vector.broadcast %lt3A_948 : i32 to vector<16xi32>
          %lt3A_950 = arith.cmpi slt, %add3A_899, %lt3A_949 : vector<16xi32>
          %and3A_951 = arith.andi %le3A_947, %lt3A_950 : vector<16xi1>
          %add3A_952 = arith.addi %mul3A_189, %add3A_899 : vector<16xi32>
          tpu.vector_store_idx %arg12[%add3A_952], %sub3A_935 masked %and3A_951 : memref<1024xf32, #tpu.memory_space<vmem>>[vector<16xi32>], vector<16xf32>, vector<16xi1>
          tpu.vector_store_idx %arg13[%add3A_952], %sub3A_937 masked %and3A_951 : memref<1024xf32, #tpu.memory_space<vmem>>[vector<16xi32>], vector<16xf32>, vector<16xi1>
          tpu.vector_store_idx %arg14[%add3A_952], %sub3A_939 masked %and3A_951 : memref<1024xf32, #tpu.memory_space<vmem>>[vector<16xi32>], vector<16xf32>, vector<16xi1>
          %jit3A_953 = arith.constant 1 : i32
          %jit3A_954 = arith.constant 0 : i32
          %broadcast_in_dim3A_955 = vector.broadcast %jit3A_953 : i32 to vector<16xi32>
          %broadcast_in_dim3A_956 = vector.broadcast %jit3A_954 : i32 to vector<16xi32>
          %select_n3A_957 = arith.select %and3A_951, %broadcast_in_dim3A_955, %broadcast_in_dim3A_956 : vector<16xi1>, vector<16xi32>
          %add3A_958 = arith.addi %add3A_899, %select_n3A_957 : vector<16xi32>
          %sub3A_959 = vector.broadcast %squeeze3A_929 : f32 to vector<16xf32>
          %sub3A_960 = arith.subf %sub3A_959, %get3A_195 : vector<16xf32>
          %sub3A_961 = vector.broadcast %squeeze3A_931 : f32 to vector<16xf32>
          %sub3A_962 = arith.subf %sub3A_961, %get3A_201 : vector<16xf32>
          %sub3A_963 = vector.broadcast %squeeze3A_933 : f32 to vector<16xf32>
          %sub3A_964 = arith.subf %sub3A_963, %get3A_207 : vector<16xf32>
          %mul3A_965 = arith.mulf %sub3A_960, %sub3A_960 : vector<16xf32>
          %mul3A_966 = arith.mulf %sub3A_962, %sub3A_962 : vector<16xf32>
          %add3A_967 = arith.addf %mul3A_965, %mul3A_966 : vector<16xf32>
          %mul3A_968 = arith.mulf %sub3A_964, %sub3A_964 : vector<16xf32>
          %add3A_969 = arith.addf %add3A_967, %mul3A_968 : vector<16xf32>
          %le3A_970 = arith.constant 8.100000e-01 : f32
          %le3A_971 = vector.broadcast %le3A_970 : f32 to vector<16xf32>
          %le3A_972 = arith.cmpf ole, %add3A_969, %le3A_971 : vector<16xf32>
          %lt3A_973 = arith.constant 32 : i32
          %lt3A_974 = vector.broadcast %lt3A_973 : i32 to vector<16xi32>
          %lt3A_975 = arith.cmpi slt, %add3A_927, %lt3A_974 : vector<16xi32>
          %and3A_976 = arith.andi %le3A_972, %lt3A_975 : vector<16xi1>
          %add3A_977 = arith.addi %mul3A_189, %add3A_927 : vector<16xi32>
          %add3A_978 = arith.constant 512 : i32
          %add3A_979 = vector.broadcast %add3A_978 : i32 to vector<16xi32>
          %add3A_980 = arith.addi %add3A_977, %add3A_979 : vector<16xi32>
          tpu.vector_store_idx %arg12[%add3A_980], %sub3A_960 masked %and3A_976 : memref<1024xf32, #tpu.memory_space<vmem>>[vector<16xi32>], vector<16xf32>, vector<16xi1>
          tpu.vector_store_idx %arg13[%add3A_980], %sub3A_962 masked %and3A_976 : memref<1024xf32, #tpu.memory_space<vmem>>[vector<16xi32>], vector<16xf32>, vector<16xi1>
          tpu.vector_store_idx %arg14[%add3A_980], %sub3A_964 masked %and3A_976 : memref<1024xf32, #tpu.memory_space<vmem>>[vector<16xi32>], vector<16xf32>, vector<16xi1>
          %jit3A_981 = arith.constant 1 : i32
          %jit3A_982 = arith.constant 0 : i32
          %broadcast_in_dim3A_983 = vector.broadcast %jit3A_981 : i32 to vector<16xi32>
          %broadcast_in_dim3A_984 = vector.broadcast %jit3A_982 : i32 to vector<16xi32>
          %select_n3A_985 = arith.select %and3A_976, %broadcast_in_dim3A_983, %broadcast_in_dim3A_984 : vector<16xi1>, vector<16xi32>
          %add3A_986 = arith.addi %add3A_927, %select_n3A_985 : vector<16xi32>
          %slice3A_987 = vector.extract_strided_slice %get3A_214 {offsets = [13], sizes = [1], strides = [1]} : vector<16xf32> to vector<1xf32>
          %squeeze3A_988 = vector.extract %slice3A_987[0] : f32 from vector<1xf32>
          %slice3A_989 = vector.extract_strided_slice %get3A_217 {offsets = [13], sizes = [1], strides = [1]} : vector<16xf32> to vector<1xf32>
          %squeeze3A_990 = vector.extract %slice3A_989[0] : f32 from vector<1xf32>
          %slice3A_991 = vector.extract_strided_slice %get3A_220 {offsets = [13], sizes = [1], strides = [1]} : vector<16xf32> to vector<1xf32>
          %squeeze3A_992 = vector.extract %slice3A_991[0] : f32 from vector<1xf32>
          %sub3A_993 = vector.broadcast %squeeze3A_988 : f32 to vector<16xf32>
          %sub3A_994 = arith.subf %sub3A_993, %get3A_191 : vector<16xf32>
          %sub3A_995 = vector.broadcast %squeeze3A_990 : f32 to vector<16xf32>
          %sub3A_996 = arith.subf %sub3A_995, %get3A_197 : vector<16xf32>
          %sub3A_997 = vector.broadcast %squeeze3A_992 : f32 to vector<16xf32>
          %sub3A_998 = arith.subf %sub3A_997, %get3A_203 : vector<16xf32>
          %mul3A_999 = arith.mulf %sub3A_994, %sub3A_994 : vector<16xf32>
          %mul3A_1000 = arith.mulf %sub3A_996, %sub3A_996 : vector<16xf32>
          %add3A_1001 = arith.addf %mul3A_999, %mul3A_1000 : vector<16xf32>
          %mul3A_1002 = arith.mulf %sub3A_998, %sub3A_998 : vector<16xf32>
          %add3A_1003 = arith.addf %add3A_1001, %mul3A_1002 : vector<16xf32>
          %le3A_1004 = arith.constant 8.100000e-01 : f32
          %le3A_1005 = vector.broadcast %le3A_1004 : f32 to vector<16xf32>
          %le3A_1006 = arith.cmpf ole, %add3A_1003, %le3A_1005 : vector<16xf32>
          %lt3A_1007 = arith.constant 32 : i32
          %lt3A_1008 = vector.broadcast %lt3A_1007 : i32 to vector<16xi32>
          %lt3A_1009 = arith.cmpi slt, %add3A_958, %lt3A_1008 : vector<16xi32>
          %and3A_1010 = arith.andi %le3A_1006, %lt3A_1009 : vector<16xi1>
          %add3A_1011 = arith.addi %mul3A_189, %add3A_958 : vector<16xi32>
          tpu.vector_store_idx %arg12[%add3A_1011], %sub3A_994 masked %and3A_1010 : memref<1024xf32, #tpu.memory_space<vmem>>[vector<16xi32>], vector<16xf32>, vector<16xi1>
          tpu.vector_store_idx %arg13[%add3A_1011], %sub3A_996 masked %and3A_1010 : memref<1024xf32, #tpu.memory_space<vmem>>[vector<16xi32>], vector<16xf32>, vector<16xi1>
          tpu.vector_store_idx %arg14[%add3A_1011], %sub3A_998 masked %and3A_1010 : memref<1024xf32, #tpu.memory_space<vmem>>[vector<16xi32>], vector<16xf32>, vector<16xi1>
          %jit3A_1012 = arith.constant 1 : i32
          %jit3A_1013 = arith.constant 0 : i32
          %broadcast_in_dim3A_1014 = vector.broadcast %jit3A_1012 : i32 to vector<16xi32>
          %broadcast_in_dim3A_1015 = vector.broadcast %jit3A_1013 : i32 to vector<16xi32>
          %select_n3A_1016 = arith.select %and3A_1010, %broadcast_in_dim3A_1014, %broadcast_in_dim3A_1015 : vector<16xi1>, vector<16xi32>
          %add3A_1017 = arith.addi %add3A_958, %select_n3A_1016 : vector<16xi32>
          %sub3A_1018 = vector.broadcast %squeeze3A_988 : f32 to vector<16xf32>
          %sub3A_1019 = arith.subf %sub3A_1018, %get3A_195 : vector<16xf32>
          %sub3A_1020 = vector.broadcast %squeeze3A_990 : f32 to vector<16xf32>
          %sub3A_1021 = arith.subf %sub3A_1020, %get3A_201 : vector<16xf32>
          %sub3A_1022 = vector.broadcast %squeeze3A_992 : f32 to vector<16xf32>
          %sub3A_1023 = arith.subf %sub3A_1022, %get3A_207 : vector<16xf32>
          %mul3A_1024 = arith.mulf %sub3A_1019, %sub3A_1019 : vector<16xf32>
          %mul3A_1025 = arith.mulf %sub3A_1021, %sub3A_1021 : vector<16xf32>
          %add3A_1026 = arith.addf %mul3A_1024, %mul3A_1025 : vector<16xf32>
          %mul3A_1027 = arith.mulf %sub3A_1023, %sub3A_1023 : vector<16xf32>
          %add3A_1028 = arith.addf %add3A_1026, %mul3A_1027 : vector<16xf32>
          %le3A_1029 = arith.constant 8.100000e-01 : f32
          %le3A_1030 = vector.broadcast %le3A_1029 : f32 to vector<16xf32>
          %le3A_1031 = arith.cmpf ole, %add3A_1028, %le3A_1030 : vector<16xf32>
          %lt3A_1032 = arith.constant 32 : i32
          %lt3A_1033 = vector.broadcast %lt3A_1032 : i32 to vector<16xi32>
          %lt3A_1034 = arith.cmpi slt, %add3A_986, %lt3A_1033 : vector<16xi32>
          %and3A_1035 = arith.andi %le3A_1031, %lt3A_1034 : vector<16xi1>
          %add3A_1036 = arith.addi %mul3A_189, %add3A_986 : vector<16xi32>
          %add3A_1037 = arith.constant 512 : i32
          %add3A_1038 = vector.broadcast %add3A_1037 : i32 to vector<16xi32>
          %add3A_1039 = arith.addi %add3A_1036, %add3A_1038 : vector<16xi32>
          tpu.vector_store_idx %arg12[%add3A_1039], %sub3A_1019 masked %and3A_1035 : memref<1024xf32, #tpu.memory_space<vmem>>[vector<16xi32>], vector<16xf32>, vector<16xi1>
          tpu.vector_store_idx %arg13[%add3A_1039], %sub3A_1021 masked %and3A_1035 : memref<1024xf32, #tpu.memory_space<vmem>>[vector<16xi32>], vector<16xf32>, vector<16xi1>
          tpu.vector_store_idx %arg14[%add3A_1039], %sub3A_1023 masked %and3A_1035 : memref<1024xf32, #tpu.memory_space<vmem>>[vector<16xi32>], vector<16xf32>, vector<16xi1>
          %jit3A_1040 = arith.constant 1 : i32
          %jit3A_1041 = arith.constant 0 : i32
          %broadcast_in_dim3A_1042 = vector.broadcast %jit3A_1040 : i32 to vector<16xi32>
          %broadcast_in_dim3A_1043 = vector.broadcast %jit3A_1041 : i32 to vector<16xi32>
          %select_n3A_1044 = arith.select %and3A_1035, %broadcast_in_dim3A_1042, %broadcast_in_dim3A_1043 : vector<16xi1>, vector<16xi32>
          %add3A_1045 = arith.addi %add3A_986, %select_n3A_1044 : vector<16xi32>
          %slice3A_1046 = vector.extract_strided_slice %get3A_214 {offsets = [14], sizes = [1], strides = [1]} : vector<16xf32> to vector<1xf32>
          %squeeze3A_1047 = vector.extract %slice3A_1046[0] : f32 from vector<1xf32>
          %slice3A_1048 = vector.extract_strided_slice %get3A_217 {offsets = [14], sizes = [1], strides = [1]} : vector<16xf32> to vector<1xf32>
          %squeeze3A_1049 = vector.extract %slice3A_1048[0] : f32 from vector<1xf32>
          %slice3A_1050 = vector.extract_strided_slice %get3A_220 {offsets = [14], sizes = [1], strides = [1]} : vector<16xf32> to vector<1xf32>
          %squeeze3A_1051 = vector.extract %slice3A_1050[0] : f32 from vector<1xf32>
          %sub3A_1052 = vector.broadcast %squeeze3A_1047 : f32 to vector<16xf32>
          %sub3A_1053 = arith.subf %sub3A_1052, %get3A_191 : vector<16xf32>
          %sub3A_1054 = vector.broadcast %squeeze3A_1049 : f32 to vector<16xf32>
          %sub3A_1055 = arith.subf %sub3A_1054, %get3A_197 : vector<16xf32>
          %sub3A_1056 = vector.broadcast %squeeze3A_1051 : f32 to vector<16xf32>
          %sub3A_1057 = arith.subf %sub3A_1056, %get3A_203 : vector<16xf32>
          %mul3A_1058 = arith.mulf %sub3A_1053, %sub3A_1053 : vector<16xf32>
          %mul3A_1059 = arith.mulf %sub3A_1055, %sub3A_1055 : vector<16xf32>
          %add3A_1060 = arith.addf %mul3A_1058, %mul3A_1059 : vector<16xf32>
          %mul3A_1061 = arith.mulf %sub3A_1057, %sub3A_1057 : vector<16xf32>
          %add3A_1062 = arith.addf %add3A_1060, %mul3A_1061 : vector<16xf32>
          %le3A_1063 = arith.constant 8.100000e-01 : f32
          %le3A_1064 = vector.broadcast %le3A_1063 : f32 to vector<16xf32>
          %le3A_1065 = arith.cmpf ole, %add3A_1062, %le3A_1064 : vector<16xf32>
          %lt3A_1066 = arith.constant 32 : i32
          %lt3A_1067 = vector.broadcast %lt3A_1066 : i32 to vector<16xi32>
          %lt3A_1068 = arith.cmpi slt, %add3A_1017, %lt3A_1067 : vector<16xi32>
          %and3A_1069 = arith.andi %le3A_1065, %lt3A_1068 : vector<16xi1>
          %add3A_1070 = arith.addi %mul3A_189, %add3A_1017 : vector<16xi32>
          tpu.vector_store_idx %arg12[%add3A_1070], %sub3A_1053 masked %and3A_1069 : memref<1024xf32, #tpu.memory_space<vmem>>[vector<16xi32>], vector<16xf32>, vector<16xi1>
          tpu.vector_store_idx %arg13[%add3A_1070], %sub3A_1055 masked %and3A_1069 : memref<1024xf32, #tpu.memory_space<vmem>>[vector<16xi32>], vector<16xf32>, vector<16xi1>
          tpu.vector_store_idx %arg14[%add3A_1070], %sub3A_1057 masked %and3A_1069 : memref<1024xf32, #tpu.memory_space<vmem>>[vector<16xi32>], vector<16xf32>, vector<16xi1>
          %jit3A_1071 = arith.constant 1 : i32
          %jit3A_1072 = arith.constant 0 : i32
          %broadcast_in_dim3A_1073 = vector.broadcast %jit3A_1071 : i32 to vector<16xi32>
          %broadcast_in_dim3A_1074 = vector.broadcast %jit3A_1072 : i32 to vector<16xi32>
          %select_n3A_1075 = arith.select %and3A_1069, %broadcast_in_dim3A_1073, %broadcast_in_dim3A_1074 : vector<16xi1>, vector<16xi32>
          %add3A_1076 = arith.addi %add3A_1017, %select_n3A_1075 : vector<16xi32>
          %sub3A_1077 = vector.broadcast %squeeze3A_1047 : f32 to vector<16xf32>
          %sub3A_1078 = arith.subf %sub3A_1077, %get3A_195 : vector<16xf32>
          %sub3A_1079 = vector.broadcast %squeeze3A_1049 : f32 to vector<16xf32>
          %sub3A_1080 = arith.subf %sub3A_1079, %get3A_201 : vector<16xf32>
          %sub3A_1081 = vector.broadcast %squeeze3A_1051 : f32 to vector<16xf32>
          %sub3A_1082 = arith.subf %sub3A_1081, %get3A_207 : vector<16xf32>
          %mul3A_1083 = arith.mulf %sub3A_1078, %sub3A_1078 : vector<16xf32>
          %mul3A_1084 = arith.mulf %sub3A_1080, %sub3A_1080 : vector<16xf32>
          %add3A_1085 = arith.addf %mul3A_1083, %mul3A_1084 : vector<16xf32>
          %mul3A_1086 = arith.mulf %sub3A_1082, %sub3A_1082 : vector<16xf32>
          %add3A_1087 = arith.addf %add3A_1085, %mul3A_1086 : vector<16xf32>
          %le3A_1088 = arith.constant 8.100000e-01 : f32
          %le3A_1089 = vector.broadcast %le3A_1088 : f32 to vector<16xf32>
          %le3A_1090 = arith.cmpf ole, %add3A_1087, %le3A_1089 : vector<16xf32>
          %lt3A_1091 = arith.constant 32 : i32
          %lt3A_1092 = vector.broadcast %lt3A_1091 : i32 to vector<16xi32>
          %lt3A_1093 = arith.cmpi slt, %add3A_1045, %lt3A_1092 : vector<16xi32>
          %and3A_1094 = arith.andi %le3A_1090, %lt3A_1093 : vector<16xi1>
          %add3A_1095 = arith.addi %mul3A_189, %add3A_1045 : vector<16xi32>
          %add3A_1096 = arith.constant 512 : i32
          %add3A_1097 = vector.broadcast %add3A_1096 : i32 to vector<16xi32>
          %add3A_1098 = arith.addi %add3A_1095, %add3A_1097 : vector<16xi32>
          tpu.vector_store_idx %arg12[%add3A_1098], %sub3A_1078 masked %and3A_1094 : memref<1024xf32, #tpu.memory_space<vmem>>[vector<16xi32>], vector<16xf32>, vector<16xi1>
          tpu.vector_store_idx %arg13[%add3A_1098], %sub3A_1080 masked %and3A_1094 : memref<1024xf32, #tpu.memory_space<vmem>>[vector<16xi32>], vector<16xf32>, vector<16xi1>
          tpu.vector_store_idx %arg14[%add3A_1098], %sub3A_1082 masked %and3A_1094 : memref<1024xf32, #tpu.memory_space<vmem>>[vector<16xi32>], vector<16xf32>, vector<16xi1>
          %jit3A_1099 = arith.constant 1 : i32
          %jit3A_1100 = arith.constant 0 : i32
          %broadcast_in_dim3A_1101 = vector.broadcast %jit3A_1099 : i32 to vector<16xi32>
          %broadcast_in_dim3A_1102 = vector.broadcast %jit3A_1100 : i32 to vector<16xi32>
          %select_n3A_1103 = arith.select %and3A_1094, %broadcast_in_dim3A_1101, %broadcast_in_dim3A_1102 : vector<16xi1>, vector<16xi32>
          %add3A_1104 = arith.addi %add3A_1045, %select_n3A_1103 : vector<16xi32>
          %slice3A_1105 = vector.extract_strided_slice %get3A_214 {offsets = [15], sizes = [1], strides = [1]} : vector<16xf32> to vector<1xf32>
          %squeeze3A_1106 = vector.extract %slice3A_1105[0] : f32 from vector<1xf32>
          %slice3A_1107 = vector.extract_strided_slice %get3A_217 {offsets = [15], sizes = [1], strides = [1]} : vector<16xf32> to vector<1xf32>
          %squeeze3A_1108 = vector.extract %slice3A_1107[0] : f32 from vector<1xf32>
          %slice3A_1109 = vector.extract_strided_slice %get3A_220 {offsets = [15], sizes = [1], strides = [1]} : vector<16xf32> to vector<1xf32>
          %squeeze3A_1110 = vector.extract %slice3A_1109[0] : f32 from vector<1xf32>
          %sub3A_1111 = vector.broadcast %squeeze3A_1106 : f32 to vector<16xf32>
          %sub3A_1112 = arith.subf %sub3A_1111, %get3A_191 : vector<16xf32>
          %sub3A_1113 = vector.broadcast %squeeze3A_1108 : f32 to vector<16xf32>
          %sub3A_1114 = arith.subf %sub3A_1113, %get3A_197 : vector<16xf32>
          %sub3A_1115 = vector.broadcast %squeeze3A_1110 : f32 to vector<16xf32>
          %sub3A_1116 = arith.subf %sub3A_1115, %get3A_203 : vector<16xf32>
          %mul3A_1117 = arith.mulf %sub3A_1112, %sub3A_1112 : vector<16xf32>
          %mul3A_1118 = arith.mulf %sub3A_1114, %sub3A_1114 : vector<16xf32>
          %add3A_1119 = arith.addf %mul3A_1117, %mul3A_1118 : vector<16xf32>
          %mul3A_1120 = arith.mulf %sub3A_1116, %sub3A_1116 : vector<16xf32>
          %add3A_1121 = arith.addf %add3A_1119, %mul3A_1120 : vector<16xf32>
          %le3A_1122 = arith.constant 8.100000e-01 : f32
          %le3A_1123 = vector.broadcast %le3A_1122 : f32 to vector<16xf32>
          %le3A_1124 = arith.cmpf ole, %add3A_1121, %le3A_1123 : vector<16xf32>
          %lt3A_1125 = arith.constant 32 : i32
          %lt3A_1126 = vector.broadcast %lt3A_1125 : i32 to vector<16xi32>
          %lt3A_1127 = arith.cmpi slt, %add3A_1076, %lt3A_1126 : vector<16xi32>
          %and3A_1128 = arith.andi %le3A_1124, %lt3A_1127 : vector<16xi1>
          %add3A_1129 = arith.addi %mul3A_189, %add3A_1076 : vector<16xi32>
          tpu.vector_store_idx %arg12[%add3A_1129], %sub3A_1112 masked %and3A_1128 : memref<1024xf32, #tpu.memory_space<vmem>>[vector<16xi32>], vector<16xf32>, vector<16xi1>
          tpu.vector_store_idx %arg13[%add3A_1129], %sub3A_1114 masked %and3A_1128 : memref<1024xf32, #tpu.memory_space<vmem>>[vector<16xi32>], vector<16xf32>, vector<16xi1>
          tpu.vector_store_idx %arg14[%add3A_1129], %sub3A_1116 masked %and3A_1128 : memref<1024xf32, #tpu.memory_space<vmem>>[vector<16xi32>], vector<16xf32>, vector<16xi1>
          %jit3A_1130 = arith.constant 1 : i32
          %jit3A_1131 = arith.constant 0 : i32
          %broadcast_in_dim3A_1132 = vector.broadcast %jit3A_1130 : i32 to vector<16xi32>
          %broadcast_in_dim3A_1133 = vector.broadcast %jit3A_1131 : i32 to vector<16xi32>
          %select_n3A_1134 = arith.select %and3A_1128, %broadcast_in_dim3A_1132, %broadcast_in_dim3A_1133 : vector<16xi1>, vector<16xi32>
          %add3A_1135 = arith.addi %add3A_1076, %select_n3A_1134 : vector<16xi32>
          %sub3A_1136 = vector.broadcast %squeeze3A_1106 : f32 to vector<16xf32>
          %sub3A_1137 = arith.subf %sub3A_1136, %get3A_195 : vector<16xf32>
          %sub3A_1138 = vector.broadcast %squeeze3A_1108 : f32 to vector<16xf32>
          %sub3A_1139 = arith.subf %sub3A_1138, %get3A_201 : vector<16xf32>
          %sub3A_1140 = vector.broadcast %squeeze3A_1110 : f32 to vector<16xf32>
          %sub3A_1141 = arith.subf %sub3A_1140, %get3A_207 : vector<16xf32>
          %mul3A_1142 = arith.mulf %sub3A_1137, %sub3A_1137 : vector<16xf32>
          %mul3A_1143 = arith.mulf %sub3A_1139, %sub3A_1139 : vector<16xf32>
          %add3A_1144 = arith.addf %mul3A_1142, %mul3A_1143 : vector<16xf32>
          %mul3A_1145 = arith.mulf %sub3A_1141, %sub3A_1141 : vector<16xf32>
          %add3A_1146 = arith.addf %add3A_1144, %mul3A_1145 : vector<16xf32>
          %le3A_1147 = arith.constant 8.100000e-01 : f32
          %le3A_1148 = vector.broadcast %le3A_1147 : f32 to vector<16xf32>
          %le3A_1149 = arith.cmpf ole, %add3A_1146, %le3A_1148 : vector<16xf32>
          %lt3A_1150 = arith.constant 32 : i32
          %lt3A_1151 = vector.broadcast %lt3A_1150 : i32 to vector<16xi32>
          %lt3A_1152 = arith.cmpi slt, %add3A_1104, %lt3A_1151 : vector<16xi32>
          %and3A_1153 = arith.andi %le3A_1149, %lt3A_1152 : vector<16xi1>
          %add3A_1154 = arith.addi %mul3A_189, %add3A_1104 : vector<16xi32>
          %add3A_1155 = arith.constant 512 : i32
          %add3A_1156 = vector.broadcast %add3A_1155 : i32 to vector<16xi32>
          %add3A_1157 = arith.addi %add3A_1154, %add3A_1156 : vector<16xi32>
          tpu.vector_store_idx %arg12[%add3A_1157], %sub3A_1137 masked %and3A_1153 : memref<1024xf32, #tpu.memory_space<vmem>>[vector<16xi32>], vector<16xf32>, vector<16xi1>
          tpu.vector_store_idx %arg13[%add3A_1157], %sub3A_1139 masked %and3A_1153 : memref<1024xf32, #tpu.memory_space<vmem>>[vector<16xi32>], vector<16xf32>, vector<16xi1>
          tpu.vector_store_idx %arg14[%add3A_1157], %sub3A_1141 masked %and3A_1153 : memref<1024xf32, #tpu.memory_space<vmem>>[vector<16xi32>], vector<16xf32>, vector<16xi1>
          %jit3A_1158 = arith.constant 1 : i32
          %jit3A_1159 = arith.constant 0 : i32
          %broadcast_in_dim3A_1160 = vector.broadcast %jit3A_1158 : i32 to vector<16xi32>
          %broadcast_in_dim3A_1161 = vector.broadcast %jit3A_1159 : i32 to vector<16xi32>
          %select_n3A_1162 = arith.select %and3A_1153, %broadcast_in_dim3A_1160, %broadcast_in_dim3A_1161 : vector<16xi1>, vector<16xi32>
          %add3A_1163 = arith.addi %add3A_1104, %select_n3A_1162 : vector<16xi32>
          %swap3A_1164 = arith.constant 0 : index
          %swap3A_1165 = tpu.vector_load %arg15[%swap3A_1164] {strides = array<i32>} : memref<32xi32, #tpu.memory_space<vmem>>, vector<16xi32>,
          tpu.vector_store %arg15[%swap3A_1164], %add3A_1135 {strides = array<i32>} : memref<32xi32, #tpu.memory_space<vmem>>, vector<16xi32>,
          %swap3A_1166 = arith.constant 16 : index
          %swap3A_1167 = tpu.vector_load %arg15[%swap3A_1166] {strides = array<i32>} : memref<32xi32, #tpu.memory_space<vmem>>, vector<16xi32>,
          tpu.vector_store %arg15[%swap3A_1166], %add3A_1163 {strides = array<i32>} : memref<32xi32, #tpu.memory_space<vmem>>, vector<16xi32>,
          %reduce_min3A = arith.constant true
          %reduce_min3A_1168 = vector.broadcast %reduce_min3A : i1 to vector<16xi1>
          %reduce_min3A_1169 = arith.constant -2147483648 : i32
          %reduce_min3A_1170 = vector.broadcast %reduce_min3A_1169 : i32 to vector<16xi32>
          %reduce_min3A_1171 = arith.xori %add3A_1135, %reduce_min3A_1170 : vector<16xi32>
          %reduce_min3A_1172 = tpu.scan <min>, %reduce_min3A_1171 masked %reduce_min3A_1168 : vector<16xi32>, vector<16xi1> -> vector<16xi32>
          %reduce_min3A_1173 = arith.xori %reduce_min3A_1172, %reduce_min3A_1170 : vector<16xi32>
          %reduce_min3A_1174 = vector.extract %reduce_min3A_1173[15] : i32 from vector<16xi32>
          %reduce_min3A_1175 = arith.constant true
          %reduce_min3A_1176 = vector.broadcast %reduce_min3A_1175 : i1 to vector<16xi1>
          %reduce_min3A_1177 = arith.constant -2147483648 : i32
          %reduce_min3A_1178 = vector.broadcast %reduce_min3A_1177 : i32 to vector<16xi32>
          %reduce_min3A_1179 = arith.xori %add3A_1163, %reduce_min3A_1178 : vector<16xi32>
          %reduce_min3A_1180 = tpu.scan <min>, %reduce_min3A_1179 masked %reduce_min3A_1176 : vector<16xi32>, vector<16xi1> -> vector<16xi32>
          %reduce_min3A_1181 = arith.xori %reduce_min3A_1180, %reduce_min3A_1178 : vector<16xi32>
          %reduce_min3A_1182 = vector.extract %reduce_min3A_1181[15] : i32 from vector<16xi32>
          %min3A_1183 = arith.minsi %reduce_min3A_1174, %reduce_min3A_1182 : i32
          %swap3A_1184 = arith.constant 0 : i32
          %swap3A_1185 = arith.index_cast %swap3A_1184 : i32 to index
          %swap3A_1186 = memref.load %arg16[%swap3A_1185] : memref<1xi32, #tpu.memory_space<smem>>
          memref.store %min3A_1183, %arg16[%swap3A_1185] : memref<1xi32, #tpu.memory_space<smem>>
        } else {
        }
      }
      %scan3A_88 = arith.constant 256 : i32
      %get3A = arith.constant 0 : index
      %get3A_89 = tpu.vector_load %arg15[%get3A] {strides = array<i32>} : memref<32xi32, #tpu.memory_space<vmem>>, vector<16xi32>,
      %get3A_90 = arith.constant 16 : index
      %get3A_91 = tpu.vector_load %arg15[%get3A_90] {strides = array<i32>} : memref<32xi32, #tpu.memory_space<vmem>>, vector<16xi32>,
      %iota3A = tpu.iota {dimensions = array<i32: 0>} : vector<16xi32>
      %mul3A_92 = arith.constant 32 : i32
      %mul3A_93 = vector.broadcast %mul3A_92 : i32 to vector<16xi32>
      %mul3A_94 = arith.muli %iota3A, %mul3A_93 : vector<16xi32>
      %get3A_95 = arith.index_cast %multiple_of3A_72 : i32 to index
      %get3A_96 = tpu.vector_load %arg9[%get3A_95] {strides = array<i32>} : memref<8192xf32, #tpu.memory_space<vmem>>, vector<16xf32>,
      %add3A_97 = arith.constant 16 : i32
      %add3A_98 = arith.addi %multiple_of3A_72, %add3A_97 : i32
      %get3A_99 = arith.index_cast %add3A_98 : i32 to index
      %get3A_100 = tpu.vector_load %arg9[%get3A_99] {strides = array<i32>} : memref<8192xf32, #tpu.memory_space<vmem>>, vector<16xf32>,
      %get3A_101 = arith.index_cast %multiple_of3A_72 : i32 to index
      %get3A_102 = tpu.vector_load %arg10[%get3A_101] {strides = array<i32>} : memref<8192xf32, #tpu.memory_space<vmem>>, vector<16xf32>,
      %add3A_103 = arith.constant 16 : i32
      %add3A_104 = arith.addi %multiple_of3A_72, %add3A_103 : i32
      %get3A_105 = arith.index_cast %add3A_104 : i32 to index
      %get3A_106 = tpu.vector_load %arg10[%get3A_105] {strides = array<i32>} : memref<8192xf32, #tpu.memory_space<vmem>>, vector<16xf32>,
      %get3A_107 = arith.index_cast %multiple_of3A_72 : i32 to index
      %get3A_108 = tpu.vector_load %arg11[%get3A_107] {strides = array<i32>} : memref<8192xf32, #tpu.memory_space<vmem>>, vector<16xf32>,
      %add3A_109 = arith.constant 16 : i32
      %add3A_110 = arith.addi %multiple_of3A_72, %add3A_109 : i32
      %get3A_111 = arith.index_cast %add3A_110 : i32 to index
      %get3A_112 = tpu.vector_load %arg11[%get3A_111] {strides = array<i32>} : memref<8192xf32, #tpu.memory_space<vmem>>, vector<16xf32>,
      %get3A_113 = arith.index_cast %multiple_of3A : i32 to index
      %get3A_114 = tpu.vector_load %arg6[%get3A_113] {strides = array<i32>} : memref<16384xf32, #tpu.memory_space<vmem>>, vector<16xf32>,
      %get3A_115 = arith.index_cast %multiple_of3A : i32 to index
      %get3A_116 = tpu.vector_load %arg7[%get3A_115] {strides = array<i32>} : memref<16384xf32, #tpu.memory_space<vmem>>, vector<16xf32>,
      %get3A_117 = arith.index_cast %multiple_of3A : i32 to index
      %get3A_118 = tpu.vector_load %arg8[%get3A_117] {strides = array<i32>} : memref<16384xf32, #tpu.memory_space<vmem>>, vector<16xf32>,
      %slice3A = vector.extract_strided_slice %get3A_114 {offsets = [0], sizes = [1], strides = [1]} : vector<16xf32> to vector<1xf32>
      %squeeze3A = vector.extract %slice3A[0] : f32 from vector<1xf32>
      %slice3A_119 = vector.extract_strided_slice %get3A_116 {offsets = [0], sizes = [1], strides = [1]} : vector<16xf32> to vector<1xf32>
      %squeeze3A_120 = vector.extract %slice3A_119[0] : f32 from vector<1xf32>
      %slice3A_121 = vector.extract_strided_slice %get3A_118 {offsets = [0], sizes = [1], strides = [1]} : vector<16xf32> to vector<1xf32>
      %squeeze3A_122 = vector.extract %slice3A_121[0] : f32 from vector<1xf32>
      %eq3A_123 = arith.constant 0 : i32
      %eq3A_124 = vector.broadcast %eq3A_123 : i32 to vector<16xi32>
      %eq3A_125 = arith.cmpi eq, %get3A_89, %eq3A_124 : vector<16xi32>
      %eq3A_126 = arith.constant 0 : i32
      %eq3A_127 = vector.broadcast %eq3A_126 : i32 to vector<16xi32>
      %eq3A_128 = arith.cmpi eq, %get3A_91, %eq3A_127 : vector<16xi32>
      %sub3A_129 = vector.broadcast %squeeze3A : f32 to vector<16xf32>
      %sub3A_130 = arith.subf %sub3A_129, %get3A_96 : vector<16xf32>
      tpu.vector_store_idx %arg12[%mul3A_94], %sub3A_130 masked %eq3A_125 : memref<1024xf32, #tpu.memory_space<vmem>>[vector<16xi32>], vector<16xf32>, vector<16xi1>
      %sub3A_131 = vector.broadcast %squeeze3A_120 : f32 to vector<16xf32>
      %sub3A_132 = arith.subf %sub3A_131, %get3A_102 : vector<16xf32>
      tpu.vector_store_idx %arg13[%mul3A_94], %sub3A_132 masked %eq3A_125 : memref<1024xf32, #tpu.memory_space<vmem>>[vector<16xi32>], vector<16xf32>, vector<16xi1>
      %sub3A_133 = vector.broadcast %squeeze3A_122 : f32 to vector<16xf32>
      %sub3A_134 = arith.subf %sub3A_133, %get3A_108 : vector<16xf32>
      tpu.vector_store_idx %arg14[%mul3A_94], %sub3A_134 masked %eq3A_125 : memref<1024xf32, #tpu.memory_space<vmem>>[vector<16xi32>], vector<16xf32>, vector<16xi1>
      %add3A_135 = arith.constant 512 : i32
      %add3A_136 = vector.broadcast %add3A_135 : i32 to vector<16xi32>
      %add3A_137 = arith.addi %mul3A_94, %add3A_136 : vector<16xi32>
      %sub3A_138 = vector.broadcast %squeeze3A : f32 to vector<16xf32>
      %sub3A_139 = arith.subf %sub3A_138, %get3A_100 : vector<16xf32>
      tpu.vector_store_idx %arg12[%add3A_137], %sub3A_139 masked %eq3A_128 : memref<1024xf32, #tpu.memory_space<vmem>>[vector<16xi32>], vector<16xf32>, vector<16xi1>
      %add3A_140 = arith.constant 512 : i32
      %add3A_141 = vector.broadcast %add3A_140 : i32 to vector<16xi32>
      %add3A_142 = arith.addi %mul3A_94, %add3A_141 : vector<16xi32>
      %sub3A_143 = vector.broadcast %squeeze3A_120 : f32 to vector<16xf32>
      %sub3A_144 = arith.subf %sub3A_143, %get3A_106 : vector<16xf32>
      tpu.vector_store_idx %arg13[%add3A_142], %sub3A_144 masked %eq3A_128 : memref<1024xf32, #tpu.memory_space<vmem>>[vector<16xi32>], vector<16xf32>, vector<16xi1>
      %add3A_145 = arith.constant 512 : i32
      %add3A_146 = vector.broadcast %add3A_145 : i32 to vector<16xi32>
      %add3A_147 = arith.addi %mul3A_94, %add3A_146 : vector<16xi32>
      %sub3A_148 = vector.broadcast %squeeze3A_122 : f32 to vector<16xf32>
      %sub3A_149 = arith.subf %sub3A_148, %get3A_112 : vector<16xf32>
      tpu.vector_store_idx %arg14[%add3A_147], %sub3A_149 masked %eq3A_128 : memref<1024xf32, #tpu.memory_space<vmem>>[vector<16xi32>], vector<16xf32>, vector<16xi1>
      %max3A_150 = arith.constant 1 : i32
      %max3A_151 = vector.broadcast %max3A_150 : i32 to vector<16xi32>
      %max3A_152 = arith.maxsi %get3A_89, %max3A_151 : vector<16xi32>
      %swap3A_153 = arith.constant 0 : index
      %swap3A_154 = tpu.vector_load %arg15[%swap3A_153] {strides = array<i32>} : memref<32xi32, #tpu.memory_space<vmem>>, vector<16xi32>,
      tpu.vector_store %arg15[%swap3A_153], %max3A_152 {strides = array<i32>} : memref<32xi32, #tpu.memory_space<vmem>>, vector<16xi32>,
      %max3A_155 = arith.constant 1 : i32
      %max3A_156 = vector.broadcast %max3A_155 : i32 to vector<16xi32>
      %max3A_157 = arith.maxsi %get3A_91, %max3A_156 : vector<16xi32>
      %swap3A_158 = arith.constant 16 : index
      %swap3A_159 = tpu.vector_load %arg15[%swap3A_158] {strides = array<i32>} : memref<32xi32, #tpu.memory_space<vmem>>, vector<16xi32>,
      tpu.vector_store %arg15[%swap3A_158], %max3A_157 {strides = array<i32>} : memref<32xi32, #tpu.memory_space<vmem>>, vector<16xi32>,
      %mul3A_160 = arith.constant 98304 : i32
      %mul3A_161 = arith.muli %scan3A_7, %mul3A_160 : i32
      %mul3A_162 = arith.constant 1024 : i32
      %mul3A_163 = arith.muli %add3A, %mul3A_162 : i32
      %add3A_164 = arith.addi %mul3A_161, %mul3A_163 : i32
      %multiple_of3A_165 = tpu.assume_multiple %add3A_164, 1024 : i32
      "tpu.region"() ({
        %run_scoped3A = tpu.sem_alloc : memref<!tpu.dma_semaphore, #tpu.memory_space<semaphore_mem>>
        %dma_start3A = tpu.memref_slice %arg4[%multiple_of3A_165] : memref<2359296xf32, #tpu.memory_space<hbm>> -> memref<1024xf32, #tpu.memory_space<hbm>>
        %dma_start3A_176 = tpu.memref_slice %arg4[%multiple_of3A_165] : memref<2359296xf32, #tpu.memory_space<hbm>> -> memref<1024xf32, #tpu.memory_space<hbm>>
        tpu.enqueue_dma source(%arg12 : memref<1024xf32, #tpu.memory_space<vmem>>) target(%dma_start3A_176 : memref<1024xf32, #tpu.memory_space<hbm>>) target_semaphore(%run_scoped3A : memref<!tpu.dma_semaphore, #tpu.memory_space<semaphore_mem>>)
        %dma_wait3A = tpu.memref_slice %arg4[%multiple_of3A_165] : memref<2359296xf32, #tpu.memory_space<hbm>> -> memref<1024xf32, #tpu.memory_space<hbm>>
        %dma_wait3A_177 = tpu.memref_slice %arg4[%multiple_of3A_165] : memref<2359296xf32, #tpu.memory_space<hbm>> -> memref<1024xf32, #tpu.memory_space<hbm>>
        tpu.wait_dma2 semaphore(%run_scoped3A : memref<!tpu.dma_semaphore, #tpu.memory_space<semaphore_mem>>) src(%arg12 : memref<1024xf32, #tpu.memory_space<vmem>>) dst(%dma_wait3A_177 : memref<1024xf32, #tpu.memory_space<hbm>>)
        tpu.yield
      }) : () -> ()
      %add3A_166 = arith.constant 32768 : i32
      %add3A_167 = arith.addi %multiple_of3A_165, %add3A_166 : i32
      "tpu.region"() ({
        %run_scoped3A = tpu.sem_alloc : memref<!tpu.dma_semaphore, #tpu.memory_space<semaphore_mem>>
        %dma_start3A = tpu.memref_slice %arg4[%add3A_167] : memref<2359296xf32, #tpu.memory_space<hbm>> -> memref<1024xf32, #tpu.memory_space<hbm>>
        %dma_start3A_176 = tpu.memref_slice %arg4[%add3A_167] : memref<2359296xf32, #tpu.memory_space<hbm>> -> memref<1024xf32, #tpu.memory_space<hbm>>
        tpu.enqueue_dma source(%arg13 : memref<1024xf32, #tpu.memory_space<vmem>>) target(%dma_start3A_176 : memref<1024xf32, #tpu.memory_space<hbm>>) target_semaphore(%run_scoped3A : memref<!tpu.dma_semaphore, #tpu.memory_space<semaphore_mem>>)
        %dma_wait3A = tpu.memref_slice %arg4[%add3A_167] : memref<2359296xf32, #tpu.memory_space<hbm>> -> memref<1024xf32, #tpu.memory_space<hbm>>
        %dma_wait3A_177 = tpu.memref_slice %arg4[%add3A_167] : memref<2359296xf32, #tpu.memory_space<hbm>> -> memref<1024xf32, #tpu.memory_space<hbm>>
        tpu.wait_dma2 semaphore(%run_scoped3A : memref<!tpu.dma_semaphore, #tpu.memory_space<semaphore_mem>>) src(%arg13 : memref<1024xf32, #tpu.memory_space<vmem>>) dst(%dma_wait3A_177 : memref<1024xf32, #tpu.memory_space<hbm>>)
        tpu.yield
      }) : () -> ()
      %add3A_168 = arith.constant 65536 : i32
      %add3A_169 = arith.addi %multiple_of3A_165, %add3A_168 : i32
      "tpu.region"() ({
        %run_scoped3A = tpu.sem_alloc : memref<!tpu.dma_semaphore, #tpu.memory_space<semaphore_mem>>
        %dma_start3A = tpu.memref_slice %arg4[%add3A_169] : memref<2359296xf32, #tpu.memory_space<hbm>> -> memref<1024xf32, #tpu.memory_space<hbm>>
        %dma_start3A_176 = tpu.memref_slice %arg4[%add3A_169] : memref<2359296xf32, #tpu.memory_space<hbm>> -> memref<1024xf32, #tpu.memory_space<hbm>>
        tpu.enqueue_dma source(%arg14 : memref<1024xf32, #tpu.memory_space<vmem>>) target(%dma_start3A_176 : memref<1024xf32, #tpu.memory_space<hbm>>) target_semaphore(%run_scoped3A : memref<!tpu.dma_semaphore, #tpu.memory_space<semaphore_mem>>)
        %dma_wait3A = tpu.memref_slice %arg4[%add3A_169] : memref<2359296xf32, #tpu.memory_space<hbm>> -> memref<1024xf32, #tpu.memory_space<hbm>>
        %dma_wait3A_177 = tpu.memref_slice %arg4[%add3A_169] : memref<2359296xf32, #tpu.memory_space<hbm>> -> memref<1024xf32, #tpu.memory_space<hbm>>
        tpu.wait_dma2 semaphore(%run_scoped3A : memref<!tpu.dma_semaphore, #tpu.memory_space<semaphore_mem>>) src(%arg14 : memref<1024xf32, #tpu.memory_space<vmem>>) dst(%dma_wait3A_177 : memref<1024xf32, #tpu.memory_space<hbm>>)
        tpu.yield
      }) : () -> ()
      %mul3A_170 = arith.constant 1024 : i32
      %mul3A_171 = arith.muli %scan3A_7, %mul3A_170 : i32
      %mul3A_172 = arith.constant 32 : i32
      %mul3A_173 = arith.muli %add3A, %mul3A_172 : i32
      %add3A_174 = arith.addi %mul3A_171, %mul3A_173 : i32
      %multiple_of3A_175 = tpu.assume_multiple %add3A_174, 32 : i32
      "tpu.region"() ({
        %run_scoped3A = tpu.sem_alloc : memref<!tpu.dma_semaphore, #tpu.memory_space<semaphore_mem>>
        %dma_start3A = tpu.memref_slice %arg5[%multiple_of3A_175] : memref<24576xi32, #tpu.memory_space<hbm>> -> memref<32xi32, #tpu.memory_space<hbm>>
        %dma_start3A_176 = tpu.memref_slice %arg5[%multiple_of3A_175] : memref<24576xi32, #tpu.memory_space<hbm>> -> memref<32xi32, #tpu.memory_space<hbm>>
        tpu.enqueue_dma source(%arg15 : memref<32xi32, #tpu.memory_space<vmem>>) target(%dma_start3A_176 : memref<32xi32, #tpu.memory_space<hbm>>) target_semaphore(%run_scoped3A : memref<!tpu.dma_semaphore, #tpu.memory_space<semaphore_mem>>)
        %dma_wait3A = tpu.memref_slice %arg5[%multiple_of3A_175] : memref<24576xi32, #tpu.memory_space<hbm>> -> memref<32xi32, #tpu.memory_space<hbm>>
        %dma_wait3A_177 = tpu.memref_slice %arg5[%multiple_of3A_175] : memref<24576xi32, #tpu.memory_space<hbm>> -> memref<32xi32, #tpu.memory_space<hbm>>
        tpu.wait_dma2 semaphore(%run_scoped3A : memref<!tpu.dma_semaphore, #tpu.memory_space<semaphore_mem>>) src(%arg15 : memref<32xi32, #tpu.memory_space<vmem>>) dst(%dma_wait3A_177 : memref<32xi32, #tpu.memory_space<hbm>>)
        tpu.yield
      }) : () -> ()
      scf.yield %select_n3A_51 : i32
    }
    %scan3A_6 = arith.constant 24 : i32
    return
  }
}

module attributes {stable_mosaic.version = 14 : i64} {
  func.func @_fps_body(%arg0: i32, %arg1: memref<1x4096x3xf32, #tpu.memory_space<vmem>>, %arg2: memref<1x3x32x128xf32, #tpu.memory_space<vmem>>, %arg3: memref<1x1024x3xf32, #tpu.memory_space<vmem>>) attributes {dimension_semantics = [#tpu.dimension_semantics<arbitrary>], iteration_bounds = array<i64: 8>, scalar_prefetch = 0 : i64, scratch_operands = 0 : i64, tpu.core_type = #tpu.core_type<tc>, window_params = [{transform_indices = @transform_0, window_bounds = array<i64: 1, 4096, 3>}, {transform_indices = @transform_1, window_bounds = array<i64: 1, 3, 32, 128>}, {transform_indices = @transform_2, window_bounds = array<i64: 1, 1024, 3>}]} {
    %get3A = arith.constant 0 : index
    %get3A_0 = arith.constant 0 : index
    %get3A_1 = arith.constant 0 : index
    %get3A_2 = arith.constant 0 : index
    %get3A_3 = vector.load %arg2[%get3A, %get3A_0, %get3A_1, %get3A_2] : memref<1x3x32x128xf32, #tpu.memory_space<vmem>>, vector<1x1x32x128xf32>
    %get3A_4 = vector.shape_cast %get3A_3 : vector<1x1x32x128xf32> to vector<32x128xf32>
    %get3A_5 = arith.constant 0 : index
    %get3A_6 = arith.constant 1 : index
    %get3A_7 = arith.constant 0 : index
    %get3A_8 = arith.constant 0 : index
    %get3A_9 = vector.load %arg2[%get3A_5, %get3A_6, %get3A_7, %get3A_8] : memref<1x3x32x128xf32, #tpu.memory_space<vmem>>, vector<1x1x32x128xf32>
    %get3A_10 = vector.shape_cast %get3A_9 : vector<1x1x32x128xf32> to vector<32x128xf32>
    %get3A_11 = arith.constant 0 : index
    %get3A_12 = arith.constant 2 : index
    %get3A_13 = arith.constant 0 : index
    %get3A_14 = arith.constant 0 : index
    %get3A_15 = vector.load %arg2[%get3A_11, %get3A_12, %get3A_13, %get3A_14] : memref<1x3x32x128xf32, #tpu.memory_space<vmem>>, vector<1x1x32x128xf32>
    %get3A_16 = vector.shape_cast %get3A_15 : vector<1x1x32x128xf32> to vector<32x128xf32>
    %iota3A = tpu.iota {dimensions = array<i32: 0>} : vector<32x128xi32>
    %mul3A = arith.constant 128 : i32
    %mul3A_17 = vector.broadcast %mul3A : i32 to vector<32x128xi32>
    %mul3A_18 = arith.muli %iota3A, %mul3A_17 : vector<32x128xi32>
    %iota3A_19 = tpu.iota {dimensions = array<i32: 1>} : vector<32x128xi32>
    %add3A = arith.addi %mul3A_18, %iota3A_19 : vector<32x128xi32>
    %broadcast_in_dim3A = arith.constant 1.000000e+10 : f32
    %broadcast_in_dim3A_20 = vector.broadcast %broadcast_in_dim3A : f32 to vector<32x128xf32>
    %scan3A = arith.constant 0 : i32
    %scan3A_21 = arith.constant 0 : i32
    %scan3A_22 = arith.constant 1024 : i32
    %scan3A_23 = arith.addi %scan3A_21, %scan3A_22 : i32
    %scan3A_24 = arith.constant 1 : i32
    %scan3A_25:2 = scf.for %scan3A_27 = %scan3A_21 to %scan3A_23 step %scan3A_24 iter_args(%scan3A_28 = %broadcast_in_dim3A_20, %scan3A_29 = %scan3A) -> (vector<32x128xf32>, i32)  : i32 {
      %get3A_30 = arith.constant 0 : index
      %get3A_31 = arith.index_cast %scan3A_29 : i32 to index
      %get3A_32 = arith.constant 0 : index
      %get3A_33 = vector.load %arg1[%get3A_30, %get3A_31, %get3A_32] : memref<1x4096x3xf32, #tpu.memory_space<vmem>>, vector<1x1x3xf32>
      %get3A_34 = vector.shape_cast %get3A_33 : vector<1x1x3xf32> to vector<1x3xf32>
      %swap3A = arith.constant 0 : index
      %swap3A_35 = arith.index_cast %scan3A_27 : i32 to index
      %swap3A_36 = arith.constant 0 : index
      %swap3A_37 = vector.load %arg3[%swap3A, %swap3A_35, %swap3A_36] : memref<1x1024x3xf32, #tpu.memory_space<vmem>>, vector<1x1x3xf32>
      %swap3A_38 = vector.shape_cast %swap3A_37 : vector<1x1x3xf32> to vector<1x3xf32>
      %swap3A_39 = vector.shape_cast %get3A_34 : vector<1x3xf32> to vector<1x1x3xf32>
      tpu.vector_store %arg3[%swap3A, %swap3A_35, %swap3A_36], %swap3A_39 {strides = array<i32>} : memref<1x1024x3xf32, #tpu.memory_space<vmem>>, vector<1x1x3xf32>,
      %slice3A = vector.extract_strided_slice %get3A_34 {offsets = [0, 0], sizes = [1, 1], strides = [1, 1]} : vector<1x3xf32> to vector<1x1xf32>
      %squeeze3A = vector.extract %slice3A[0, 0] : f32 from vector<1x1xf32>
      %slice3A_40 = vector.extract_strided_slice %get3A_34 {offsets = [0, 1], sizes = [1, 1], strides = [1, 1]} : vector<1x3xf32> to vector<1x1xf32>
      %squeeze3A_41 = vector.extract %slice3A_40[0, 0] : f32 from vector<1x1xf32>
      %slice3A_42 = vector.extract_strided_slice %get3A_34 {offsets = [0, 2], sizes = [1, 1], strides = [1, 1]} : vector<1x3xf32> to vector<1x1xf32>
      %squeeze3A_43 = vector.extract %slice3A_42[0, 0] : f32 from vector<1x1xf32>
      %sub3A = vector.broadcast %squeeze3A : f32 to vector<32x128xf32>
      %sub3A_44 = arith.subf %get3A_4, %sub3A : vector<32x128xf32>
      %sub3A_45 = vector.broadcast %squeeze3A_41 : f32 to vector<32x128xf32>
      %sub3A_46 = arith.subf %get3A_10, %sub3A_45 : vector<32x128xf32>
      %sub3A_47 = vector.broadcast %squeeze3A_43 : f32 to vector<32x128xf32>
      %sub3A_48 = arith.subf %get3A_16, %sub3A_47 : vector<32x128xf32>
      %mul3A_49 = arith.mulf %sub3A_44, %sub3A_44 : vector<32x128xf32>
      %mul3A_50 = arith.mulf %sub3A_46, %sub3A_46 : vector<32x128xf32>
      %add3A_51 = arith.addf %mul3A_49, %mul3A_50 : vector<32x128xf32>
      %mul3A_52 = arith.mulf %sub3A_48, %sub3A_48 : vector<32x128xf32>
      %add3A_53 = arith.addf %add3A_51, %mul3A_52 : vector<32x128xf32>
      %min3A = arith.minimumf %scan3A_28, %add3A_53 : vector<32x128xf32>
      %reduce_max3A = vector.shape_cast %min3A : vector<32x128xf32> to vector<1x32x128xf32>
      %reduce_max3A_54 = arith.constant dense<0xFF800000> : vector<1xf32>
      %reduce_max3A_55 = vector.multi_reduction <maximumf>, %reduce_max3A, %reduce_max3A_54 [1, 2] : vector<1x32x128xf32> to vector<1xf32>
      %reduce_max3A_56 = vector.shape_cast %reduce_max3A_55 : vector<1xf32> to vector<1x1x1xf32>
      %reduce_max3A_57 = vector.extract %reduce_max3A_56[0, 0, 0] : f32 from vector<1x1x1xf32>
      %eq3A = vector.broadcast %reduce_max3A_57 : f32 to vector<32x128xf32>
      %eq3A_58 = arith.cmpf oeq, %min3A, %eq3A : vector<32x128xf32>
      %jit3A = arith.constant 1073741824 : i32
      %broadcast_in_dim3A_59 = vector.broadcast %jit3A : i32 to vector<32x128xi32>
      %select_n3A = arith.select %eq3A_58, %add3A, %broadcast_in_dim3A_59 : vector<32x128xi1>, vector<32x128xi32>
      %reduce_min3A = vector.shape_cast %select_n3A : vector<32x128xi32> to vector<1x32x128xi32>
      %reduce_min3A_60 = arith.constant dense<2147483647> : vector<1xi32>
      %reduce_min3A_61 = vector.multi_reduction <minsi>, %reduce_min3A, %reduce_min3A_60 [1, 2] : vector<1x32x128xi32> to vector<1xi32>
      %reduce_min3A_62 = vector.shape_cast %reduce_min3A_61 : vector<1xi32> to vector<1x1x1xi32>
      %reduce_min3A_63 = vector.extract %reduce_min3A_62[0, 0, 0] : i32 from vector<1x1x1xi32>
      scf.yield %min3A, %reduce_min3A_63 : vector<32x128xf32>, i32
    }
    %scan3A_26 = arith.constant 1024 : i32
    return
  }
  func.func @transform_0(%arg0: i32) -> (i32, i32, i32) {
    %c0_i32 = arith.constant 0 : i32
    %c0_i32_0 = arith.constant 0 : i32
    %c0_i32_1 = arith.constant 0 : i32
    return %arg0, %c0_i32, %c0_i32_0 : i32, i32, i32
  }
  func.func @transform_1(%arg0: i32) -> (i32, i32, i32, i32) {
    %c0_i32 = arith.constant 0 : i32
    %c0_i32_0 = arith.constant 0 : i32
    %c0_i32_1 = arith.constant 0 : i32
    %c0_i32_2 = arith.constant 0 : i32
    return %arg0, %c0_i32, %c0_i32_0, %c0_i32_1 : i32, i32, i32, i32
  }
  func.func @transform_2(%arg0: i32) -> (i32, i32, i32) {
    %c0_i32 = arith.constant 0 : i32
    %c0_i32_0 = arith.constant 0 : i32
    %c0_i32_1 = arith.constant 0 : i32
    return %arg0, %c0_i32, %c0_i32_0 : i32, i32, i32
  }
}

module attributes {stable_mosaic.version = 14 : i64} {
  func.func @_feat_body(%arg0: i32, %arg1: i32, %arg2: memref<1x3x3x8192xf32, #tpu.memory_space<vmem>>, %arg3: memref<1x3x256x1xi32, #tpu.memory_space<vmem>>, %arg4: memref<4x128xf32, #tpu.memory_space<vmem>>, %arg5: memref<1x256x128xf32, #tpu.memory_space<vmem>>) attributes {dimension_semantics = [#tpu.dimension_semantics<arbitrary>, #tpu.dimension_semantics<arbitrary>], iteration_bounds = array<i64: 8, 4>, scalar_prefetch = 0 : i64, scratch_operands = 0 : i64, tpu.core_type = #tpu.core_type<tc>, window_params = [{transform_indices = @transform_0, window_bounds = array<i64: 1, 3, 3, 8192>}, {transform_indices = @transform_1, window_bounds = array<i64: 1, 3, 256, 1>}, {pipeline_mode = #tpu.pipeline_mode<synchronous>, transform_indices = @transform_2, window_bounds = array<i64: 4, 128>}, {transform_indices = @transform_3, window_bounds = array<i64: 1, 256, 128>}]} {
    %get3A = arith.constant 3 : index
    %get3A_0 = arith.constant 0 : index
    %get3A_1 = vector.load %arg4[%get3A, %get3A_0] : memref<4x128xf32, #tpu.memory_space<vmem>>, vector<1x128xf32>
    %broadcast_in_dim3A = arith.constant 0xFF800000 : f32
    %broadcast_in_dim3A_2 = vector.broadcast %broadcast_in_dim3A : f32 to vector<256x128xf32>
    %iota3A = tpu.iota {dimensions = array<i32: 1>} : vector<256x32x1xi32>
    %get3A_3 = arith.constant 0 : index
    %get3A_4 = arith.constant 0 : index
    %get3A_5 = arith.constant 0 : index
    %get3A_6 = arith.constant 0 : index
    %get3A_7 = vector.load %arg2[%get3A_3, %get3A_4, %get3A_5, %get3A_6] : memref<1x3x3x8192xf32, #tpu.memory_space<vmem>>, vector<1x1x3x8192xf32>
    %get3A_8 = vector.shape_cast %get3A_7 : vector<1x1x3x8192xf32> to vector<3x8192xf32>
    %get3A_9 = arith.constant 0 : index
    %get3A_10 = arith.constant 0 : index
    %get3A_11 = vector.load %arg4[%get3A_9, %get3A_10] : memref<4x128xf32, #tpu.memory_space<vmem>>, vector<3x128xf32>
    %dot_general3A = arith.constant dense<0.000000e+00> : vector<8192x128xf32>
    %dot_general3A_12 = tpu.matmul %get3A_8, %get3A_11, %dot_general3A {dimension_numbers = #tpu.dot_dimension_numbers<[0], [0], [1], [1], [0, 1, 1, 1], [], []>, transpose_lhs_hint = false} : vector<3x8192xf32>, vector<3x128xf32>, vector<8192x128xf32> -> vector<8192x128xf32>
    %reshape3A = vector.shape_cast %dot_general3A_12 : vector<8192x128xf32> to vector<256x32x128xf32>
    %get3A_13 = arith.constant 0 : index
    %get3A_14 = arith.constant 0 : index
    %get3A_15 = arith.constant 0 : index
    %get3A_16 = arith.constant 0 : index
    %get3A_17 = vector.load %arg3[%get3A_13, %get3A_14, %get3A_15, %get3A_16] : memref<1x3x256x1xi32, #tpu.memory_space<vmem>>, vector<1x1x256x1xi32>
    %get3A_18 = vector.shape_cast %get3A_17 : vector<1x1x256x1xi32> to vector<256x1xi32>
    %broadcast_in_dim3A_19 = vector.shape_cast %get3A_18 : vector<256x1xi32> to vector<256x1x1xi32>
    %lt3A = vector.broadcast %broadcast_in_dim3A_19 : vector<256x1x1xi32> to vector<256x32x1xi32>
    %lt3A_20 = arith.cmpi slt, %iota3A, %lt3A : vector<256x32x1xi32>
    %jit3A = arith.constant 0xFF800000 : f32
    %broadcast_in_dim3A_21 = vector.shape_cast %lt3A_20 : vector<256x32x1xi1> to vector<256x32x1xi1>
    %broadcast_in_dim3A_22 = vector.broadcast %broadcast_in_dim3A_21 : vector<256x32x1xi1> to vector<256x32x128xi1>
    %broadcast_in_dim3A_23 = vector.broadcast %jit3A : f32 to vector<256x32x128xf32>
    %select_n3A = arith.select %broadcast_in_dim3A_22, %reshape3A, %broadcast_in_dim3A_23 : vector<256x32x128xi1>, vector<256x32x128xf32>
    %reduce_max3A = arith.constant dense<0xFF800000> : vector<256x128xf32>
    %reduce_max3A_24 = vector.multi_reduction <maximumf>, %select_n3A, %reduce_max3A [1] : vector<256x32x128xf32> to vector<256x128xf32>
    %mul3A = arith.constant -1.000000e+00 : f32
    %mul3A_25 = vector.broadcast %mul3A : f32 to vector<1x128xf32>
    %mul3A_26 = arith.mulf %mul3A_25, %get3A_1 : vector<1x128xf32>
    %add3A = vector.broadcast %mul3A_26 : vector<1x128xf32> to vector<256x128xf32>
    %add3A_27 = arith.addf %reduce_max3A_24, %add3A : vector<256x128xf32>
    %max3A = arith.maximumf %broadcast_in_dim3A_2, %add3A_27 : vector<256x128xf32>
    %get3A_28 = arith.constant 0 : index
    %get3A_29 = arith.constant 1 : index
    %get3A_30 = arith.constant 0 : index
    %get3A_31 = arith.constant 0 : index
    %get3A_32 = vector.load %arg2[%get3A_28, %get3A_29, %get3A_30, %get3A_31] : memref<1x3x3x8192xf32, #tpu.memory_space<vmem>>, vector<1x1x3x8192xf32>
    %get3A_33 = vector.shape_cast %get3A_32 : vector<1x1x3x8192xf32> to vector<3x8192xf32>
    %get3A_34 = arith.constant 0 : index
    %get3A_35 = arith.constant 0 : index
    %get3A_36 = vector.load %arg4[%get3A_34, %get3A_35] : memref<4x128xf32, #tpu.memory_space<vmem>>, vector<3x128xf32>
    %dot_general3A_37 = arith.constant dense<0.000000e+00> : vector<8192x128xf32>
    %dot_general3A_38 = tpu.matmul %get3A_33, %get3A_36, %dot_general3A_37 {dimension_numbers = #tpu.dot_dimension_numbers<[0], [0], [1], [1], [0, 1, 1, 1], [], []>, transpose_lhs_hint = false} : vector<3x8192xf32>, vector<3x128xf32>, vector<8192x128xf32> -> vector<8192x128xf32>
    %reshape3A_39 = vector.shape_cast %dot_general3A_38 : vector<8192x128xf32> to vector<256x32x128xf32>
    %get3A_40 = arith.constant 0 : index
    %get3A_41 = arith.constant 1 : index
    %get3A_42 = arith.constant 0 : index
    %get3A_43 = arith.constant 0 : index
    %get3A_44 = vector.load %arg3[%get3A_40, %get3A_41, %get3A_42, %get3A_43] : memref<1x3x256x1xi32, #tpu.memory_space<vmem>>, vector<1x1x256x1xi32>
    %get3A_45 = vector.shape_cast %get3A_44 : vector<1x1x256x1xi32> to vector<256x1xi32>
    %broadcast_in_dim3A_46 = vector.shape_cast %get3A_45 : vector<256x1xi32> to vector<256x1x1xi32>
    %lt3A_47 = vector.broadcast %broadcast_in_dim3A_46 : vector<256x1x1xi32> to vector<256x32x1xi32>
    %lt3A_48 = arith.cmpi slt, %iota3A, %lt3A_47 : vector<256x32x1xi32>
    %jit3A_49 = arith.constant 0xFF800000 : f32
    %broadcast_in_dim3A_50 = vector.shape_cast %lt3A_48 : vector<256x32x1xi1> to vector<256x32x1xi1>
    %broadcast_in_dim3A_51 = vector.broadcast %broadcast_in_dim3A_50 : vector<256x32x1xi1> to vector<256x32x128xi1>
    %broadcast_in_dim3A_52 = vector.broadcast %jit3A_49 : f32 to vector<256x32x128xf32>
    %select_n3A_53 = arith.select %broadcast_in_dim3A_51, %reshape3A_39, %broadcast_in_dim3A_52 : vector<256x32x128xi1>, vector<256x32x128xf32>
    %reduce_max3A_54 = arith.constant dense<0xFF800000> : vector<256x128xf32>
    %reduce_max3A_55 = vector.multi_reduction <maximumf>, %select_n3A_53, %reduce_max3A_54 [1] : vector<256x32x128xf32> to vector<256x128xf32>
    %mul3A_56 = arith.constant 0.000000e+00 : f32
    %mul3A_57 = vector.broadcast %mul3A_56 : f32 to vector<1x128xf32>
    %mul3A_58 = arith.mulf %mul3A_57, %get3A_1 : vector<1x128xf32>
    %add3A_59 = vector.broadcast %mul3A_58 : vector<1x128xf32> to vector<256x128xf32>
    %add3A_60 = arith.addf %reduce_max3A_55, %add3A_59 : vector<256x128xf32>
    %max3A_61 = arith.maximumf %max3A, %add3A_60 : vector<256x128xf32>
    %get3A_62 = arith.constant 0 : index
    %get3A_63 = arith.constant 2 : index
    %get3A_64 = arith.constant 0 : index
    %get3A_65 = arith.constant 0 : index
    %get3A_66 = vector.load %arg2[%get3A_62, %get3A_63, %get3A_64, %get3A_65] : memref<1x3x3x8192xf32, #tpu.memory_space<vmem>>, vector<1x1x3x8192xf32>
    %get3A_67 = vector.shape_cast %get3A_66 : vector<1x1x3x8192xf32> to vector<3x8192xf32>
    %get3A_68 = arith.constant 0 : index
    %get3A_69 = arith.constant 0 : index
    %get3A_70 = vector.load %arg4[%get3A_68, %get3A_69] : memref<4x128xf32, #tpu.memory_space<vmem>>, vector<3x128xf32>
    %dot_general3A_71 = arith.constant dense<0.000000e+00> : vector<8192x128xf32>
    %dot_general3A_72 = tpu.matmul %get3A_67, %get3A_70, %dot_general3A_71 {dimension_numbers = #tpu.dot_dimension_numbers<[0], [0], [1], [1], [0, 1, 1, 1], [], []>, transpose_lhs_hint = false} : vector<3x8192xf32>, vector<3x128xf32>, vector<8192x128xf32> -> vector<8192x128xf32>
    %reshape3A_73 = vector.shape_cast %dot_general3A_72 : vector<8192x128xf32> to vector<256x32x128xf32>
    %get3A_74 = arith.constant 0 : index
    %get3A_75 = arith.constant 2 : index
    %get3A_76 = arith.constant 0 : index
    %get3A_77 = arith.constant 0 : index
    %get3A_78 = vector.load %arg3[%get3A_74, %get3A_75, %get3A_76, %get3A_77] : memref<1x3x256x1xi32, #tpu.memory_space<vmem>>, vector<1x1x256x1xi32>
    %get3A_79 = vector.shape_cast %get3A_78 : vector<1x1x256x1xi32> to vector<256x1xi32>
    %broadcast_in_dim3A_80 = vector.shape_cast %get3A_79 : vector<256x1xi32> to vector<256x1x1xi32>
    %lt3A_81 = vector.broadcast %broadcast_in_dim3A_80 : vector<256x1x1xi32> to vector<256x32x1xi32>
    %lt3A_82 = arith.cmpi slt, %iota3A, %lt3A_81 : vector<256x32x1xi32>
    %jit3A_83 = arith.constant 0xFF800000 : f32
    %broadcast_in_dim3A_84 = vector.shape_cast %lt3A_82 : vector<256x32x1xi1> to vector<256x32x1xi1>
    %broadcast_in_dim3A_85 = vector.broadcast %broadcast_in_dim3A_84 : vector<256x32x1xi1> to vector<256x32x128xi1>
    %broadcast_in_dim3A_86 = vector.broadcast %jit3A_83 : f32 to vector<256x32x128xf32>
    %select_n3A_87 = arith.select %broadcast_in_dim3A_85, %reshape3A_73, %broadcast_in_dim3A_86 : vector<256x32x128xi1>, vector<256x32x128xf32>
    %reduce_max3A_88 = arith.constant dense<0xFF800000> : vector<256x128xf32>
    %reduce_max3A_89 = vector.multi_reduction <maximumf>, %select_n3A_87, %reduce_max3A_88 [1] : vector<256x32x128xf32> to vector<256x128xf32>
    %mul3A_90 = arith.constant 1.000000e+00 : f32
    %mul3A_91 = vector.broadcast %mul3A_90 : f32 to vector<1x128xf32>
    %mul3A_92 = arith.mulf %mul3A_91, %get3A_1 : vector<1x128xf32>
    %add3A_93 = vector.broadcast %mul3A_92 : vector<1x128xf32> to vector<256x128xf32>
    %add3A_94 = arith.addf %reduce_max3A_89, %add3A_93 : vector<256x128xf32>
    %max3A_95 = arith.maximumf %max3A_61, %add3A_94 : vector<256x128xf32>
    %swap3A = arith.constant 0 : index
    %swap3A_96 = arith.constant 0 : index
    %swap3A_97 = arith.constant 0 : index
    %swap3A_98 = vector.load %arg5[%swap3A, %swap3A_96, %swap3A_97] : memref<1x256x128xf32, #tpu.memory_space<vmem>>, vector<1x256x128xf32>
    %swap3A_99 = vector.shape_cast %swap3A_98 : vector<1x256x128xf32> to vector<256x128xf32>
    %swap3A_100 = vector.shape_cast %max3A_95 : vector<256x128xf32> to vector<1x256x128xf32>
    tpu.vector_store %arg5[%swap3A, %swap3A_96, %swap3A_97], %swap3A_100 {strides = array<i32>} : memref<1x256x128xf32, #tpu.memory_space<vmem>>, vector<1x256x128xf32>,
    return
  }
  func.func @transform_0(%arg0: i32, %arg1: i32) -> (i32, i32, i32, i32) {
    %c0_i32 = arith.constant 0 : i32
    %c0_i32_0 = arith.constant 0 : i32
    %c0_i32_1 = arith.constant 0 : i32
    return %arg0, %c0_i32, %c0_i32_0, %arg1 : i32, i32, i32, i32
  }
  func.func @transform_1(%arg0: i32, %arg1: i32) -> (i32, i32, i32, i32) {
    %c0_i32 = arith.constant 0 : i32
    %c0_i32_0 = arith.constant 0 : i32
    %c0_i32_1 = arith.constant 0 : i32
    return %arg0, %c0_i32, %arg1, %c0_i32_0 : i32, i32, i32, i32
  }
  func.func @transform_2(%arg0: i32, %arg1: i32) -> (i32, i32) {
    %c0_i32 = arith.constant 0 : i32
    %c0_i32_0 = arith.constant 0 : i32
    %c0_i32_1 = arith.constant 0 : i32
    return %c0_i32, %c0_i32_0 : i32, i32
  }
  func.func @transform_3(%arg0: i32, %arg1: i32) -> (i32, i32, i32) {
    %c0_i32 = arith.constant 0 : i32
    %c0_i32_0 = arith.constant 0 : i32
    return %arg0, %arg1, %c0_i32 : i32, i32, i32
  }
}

</mosaic_0001>

<sc_bundles>
// kernel: kernel.5.cloned.1.call-start
scs
__scs_entry_jumppad:
0x0: {  	(pc) =	sbr.rel $0x88, $3  }
0x1: {  	(tag) =	ssettag $0x0;
	lr =	simm.s32 $0x1  }
0x2: {  	[smem:$0x3F9F] =	sst lr;
	_ =	strace $0xD0000000  }
0x3: {  	_ = 	snop  }
0x4: {  	_ = 	snop  }
0x5: {  	_ = 	snop  }
0x6: {  	_ = 	snop  }
0x7: {  	_ = 	snop  }
__scs_overlays_trampoline_lowered:
0x8: {  	[smem:$0x3FAE] =	sst s0  }
0x9: {  	[smem:$0x3FAF] =	sst s1  }
0xa: {  	[smem:$0x3FB0] =	sst s2  }
0xb: {  	[smem:$0x3FB1] =	sst s3  }
0xc: {  	[smem:$0x3FB2] =	sst s4  }
0xd: {  	[smem:$0x3FB3] =	sst s5  }
0xe: {  	[smem:$0x3FB4] =	sst s6  }
0xf: {  	[smem:$0x3FB5] =	sst s7  }
0x10: {  	[smem:$0x3FB6] =	sst s8  }
0x11: {  	[smem:$0x3FB7] =	sst s9;
	s0 =	simm.s32 @!p0 $0x0  }
0x12: {  	s1 =	sld [smem:$0x3F9D];
	s0 =	simm.s32 @p0 $0x1  }
0x13: {  	[smem:$0x3FB8] =	sst s0;
	s0 =	simm.s32 @!p1 $0x0  }
0x14: {  	s2 =	sld [smem:$0x3F9C];
	s0 =	simm.s32 @p1 $0x1  }
0x15: {  	[smem:$0x3FB9] =	sst s0;
	s0 =	simm.s32 @!p2 $0x0  }
0x16: {  	s3 =	sld [smem:$0x3FDB];
	s0 =	simm.s32 @p2 $0x1  }
0x17: {  	s4 =	simm.s32 $0x1BF5;
	[smem:$0x3FBB] =	sst s0  }
0x18: {  	s0 =	sld [smem:$0x3F9E];
	_ =	swait.ge [sflag:s4], $0x0  }
0x19: {  	s7 =	sld [smem:$0x3F9F]  }
0x1a: {  	s8 =	sadd.s32 $0xFFFFE003, lr  }
0x1b: {  	s9 =	sadd.s32 $0xFFFFFEF7, lr;
	s5 =	simm.s32 $0xFFFFFFFF;
	p2 =	slt.u32 s8, $0xFFFFF086  }
0x1c: {  	p1 =	slt.u32 s9, $0xF7A;
	s5 =	simm.s32 @!p2 $0x0  }
0x1d: {  	s5 =	simm.s32 @p1 $0x1;
	p0 =	seq.s32 s7, s2  }
0x1e: {  	s7 =	smul.u32 @!p0 $0xF7A, s2;
	p2 =	seq.s32 @!p0 s5, $0x0  }
0x1f: {  	s9 =	smul.u32 $0xF7A, s1;
	s8 =	simm.s32 @!p0 $0x1BF5;
	p2 =	por !p2, p0  }
0x20: {  	[sflag:s8] =	ssyncset.s32 @!p0 $0xFFFFF086;
	s6 =	sadd.s32 @!p0 s3, s7;
	s7 =	simm.s32 @!p0 $0x108  }
0x21: {  	s3 =	sadd.s32 s3, s9;
	s6 =	sadd.s32 @!p0 $0x88, s6;
	s7 =	simm.s32 @p2 $0x1082  }
0x22: {  	[simem:s7], [sflag:s8] =	dma.local @!p0 [hbm:s6], $0xF7A  }
0x23: {  	s9 =	sor.u32 $0xD0000000, s2;
	s6 =	simm.s32 $0x108;
	_ =	swait.ge @!p0 [sflag:s8], $0x0  }
0x24: {  	s3 =	sadd.s32 $0x88, s3;
	s6 =	simm.s32 @!p1 $0x1082;
	[sflag:s4] =	ssyncset.s32 $0xFFFFF086  }
0x25: {  	[simem:s6], [sflag:s4] =	dma.local [hbm:s3], $0xF7A  }
0x26: {  	[smem:$0x3F9F] =	sst s1;
	(tag) =	ssettag s2;
	_ =	strace s9  }
0x27: {  	s1 =	sld [smem:$0x3FAF]  }
0x28: {  	s2 =	sld [smem:$0x3FB0]  }
0x29: {  	s4 =	sld [smem:$0x3FB2]  }
0x2a: {  	p0 =	seq.s32 s5, $0x0;
	s5 =	sld [smem:$0x3FB3]  }
0x2b: {  	s6 =	sld [smem:$0x3FB4]  }
0x2c: {  	s7 =	sld [smem:$0x3FB5]  }
0x2d: {  	s3 =	simm.s32 $0x108;
	s8 =	sld [smem:$0x3FB6]  }
0x2e: {  	s3 =	simm.s32 @!p0 $0x1082;
	s9 =	sld [smem:$0x3FB7]  }
0x2f: {  	lr =	sadd.s32 s0, s3;
	s0 =	sld [smem:$0x3FAE]  }
0x30: {  	s3 =	sld [smem:$0x3FB1]  }
0x31: {  	[smem:$0x3FBA] =	sst s10  }
0x32: {  	s10 =	sld [smem:$0x3FB8];
	_ =	sdelay $0x3  }
0x33: {  	p0 =	seq.s32 s10, $0x1;
	s10 =	sld [smem:$0x3FBA];
	_ =	sdelay $0x3  }
0x34: {  	[smem:$0x3FBA] =	sst s10  }
0x35: {  	s10 =	sld [smem:$0x3FB9];
	_ =	sdelay $0x3  }
0x36: {  	p1 =	seq.s32 s10, $0x1;
	s10 =	sld [smem:$0x3FBA];
	_ =	sdelay $0x3  }
0x37: {  	[smem:$0x3FBA] =	sst s10  }
0x38: {  	s10 =	sld [smem:$0x3FBB]  }
0x39: {  	_ = 	snop;
	(pc) =	sbr.ind lr, $3  }
0x3a: {  	_ = 	snop  }
0x3b: {  	_ = 	snop  }
0x3c: {  	p2 =	seq.s32 s10, $0x1;
	s10 =	sld [smem:$0x3FBA]  }
0x3d: {  	_ =	shalt  }
0x3e: {  	_ =	shalt  }
0x3f: {  	_ =	shalt  }
0x40: {  	_ =	shalt  }
0x41: {  	_ =	shalt  }
0x42: {  	_ =	shalt  }
0x43: {  	_ =	shalt  }
0x44: {  	_ =	shalt  }
0x45: {  	_ =	shalt  }
0x46: {  	_ =	shalt  }
0x47: {  	_ =	shalt  }
0x48: {  	_ =	shalt  }
0x49: {  	_ =	shalt  }
0x4a: {  	_ =	shalt  }
0x4b: {  	_ =	shalt  }
0x4c: {  	_ =	shalt  }
0x4d: {  	_ =	shalt  }
0x4e: {  	_ =	shalt  }
0x4f: {  	_ =	shalt  }
0x50: {  	_ =	shalt  }
0x51: {  	_ =	shalt  }
0x52: {  	_ =	shalt  }
0x53: {  	_ =	shalt  }
0x54: {  	_ =	shalt  }
0x55: {  	_ =	shalt  }
0x56: {  	_ =	shalt  }
0x57: {  	_ =	shalt  }
0x58: {  	_ =	shalt  }
0x59: {  	_ =	shalt  }
0x5a: {  	_ =	shalt  }
0x5b: {  	_ =	shalt  }
0x5c: {  	_ =	shalt  }
0x5d: {  	_ =	shalt  }
0x5e: {  	_ =	shalt  }
0x5f: {  	_ =	shalt  }
0x60: {  	_ =	shalt  }
0x61: {  	_ =	shalt  }
0x62: {  	_ =	shalt  }
0x63: {  	_ =	shalt  }
0x64: {  	_ =	shalt  }
0x65: {  	_ =	shalt  }
0x66: {  	_ =	shalt  }
0x67: {  	_ =	shalt  }
0x68: {  	_ =	shalt  }
0x69: {  	_ =	shalt  }
0x6a: {  	_ =	shalt  }
0x6b: {  	_ =	shalt  }
0x6c: {  	_ =	shalt  }
0x6d: {  	_ =	shalt  }
0x6e: {  	_ =	shalt  }
0x6f: {  	_ =	shalt  }
0x70: {  	_ =	shalt  }
0x71: {  	_ =	shalt  }
0x72: {  	_ =	shalt  }
0x73: {  	_ =	shalt  }
0x74: {  	_ =	shalt  }
0x75: {  	_ =	shalt  }
0x76: {  	_ =	shalt  }
0x77: {  	_ =	shalt  }
0x78: {  	_ =	shalt  }
0x79: {  	_ =	shalt  }
0x7a: {  	_ =	shalt  }
0x7b: {  	_ =	shalt  }
0x7c: {  	_ =	shalt  }
0x7d: {  	_ =	shalt  }
0x7e: {  	_ =	shalt  }
0x7f: {  	_ =	shalt  }
0x80: {  	_ =	shalt  }
0x81: {  	_ =	shalt  }
0x82: {  	_ =	shalt  }
0x83: {  	_ =	shalt  }
0x84: {  	_ =	shalt  }
0x85: {  	_ =	shalt  }
0x86: {  	_ =	shalt  }
0x87: {  	_ =	shalt  }
.Lfunc_end0:
.L_simem_size_0:
called_computation_lowered:
.L_overlay_start_0:
0x88: {  	s2 =	sld [smem:$0x3FD9]  }
0x89: {  	s3 =	sld [smem:$0x3FFE];
	_ =	sdelay $0x1  }
0x8a: {  	s1 =	srdreg.scid  }
0x8b: {  	s0 =	sand.u32 $0x1, s1  }
0x8c: {  	s14 =	sshll.u32 s0, $0xA;
	s2 =	sadd.s32 s3, s2  }
0x8d: {  	s2 =	sadd.s32 s2, s14  }
0x8e: {  	[smem:$0x3FC6] =	sst s2  }
0x8f: {  	_ = 	snop  }
0x90: {  	s2 =	sld [smem:$0x3FD0];
	_ =	sdelay $0x2  }
0x91: {  	s15 =	simm.s32 $0xA;
	s4 =	simm.s32 $0x10  }
0x92: {  	[smem:s4], [sflag:s15] =	dma.local [hbm:s2], $0x1  }
0x93: {  	_ =	swait.eq [sflag:s15], $0x1  }
0x94: {  	[sflag:s15] =	ssyncset.done $0x0  }
0x95: {  	[sflag:s15] =	ssyncadd.s32 $0xFFFFFFFF  }
0x96: {  	s16 =	sld [smem:$0x11];
	(tm) =	ssettm $0x1  }
0x97: {  	s17 =	sld [smem:$0x3FFB];
	_ =	sdelay $0x3  }
0x98: {  	_ =	strace s17  }
0x99: {  	s3 =	sld [smem:$0x3FFC];
	_ =	sdelay $0x3  }
0x9a: {  	_ =	strace s3  }
0x9b: {  	s3 =	sld [smem:$0x3FFD];
	_ =	sdelay $0x3  }
0x9c: {  	_ =	strace s3  }
0x9d: {  	_ =	strace $0x8FFFFFFF  }
0x9e: {  	s18 =	sld [smem:$0x3FDB];
	_ =	sdelay $0x1  }
0x9f: {  	s19 =	simm.s32 $_scs_section_size  }
0xa0: {  	s5 =	simm.s32 $_size__tile_overlayer_lowered;
	s6 =	simm.s32 $_tile_overlayer_lowered  }
0xa1: {  	s22 =	simm.s32 $0x1BFF;
	s21 =	sshll.u32 s6, $0x1;
	s3 =	sadd.s32 s19, s18  }
0xa2: {  	s7 =	simm.s32 $0x0;
	s20 =	sshll.u32 s5, $0x1;
	s5 =	sadd.s32 s21, s3  }
0xa3: {  	[timem:s7], [sflag:s22] =	dma.local [hbm:s5], s20  }
0xa4: {  	_ =	swait.ge [sflag:s22], s20  }
0xa5: {  	s4 =	ssub.s32 $0x0, s20;
	[sflag:s22] =	ssyncset.done $0x0  }
0xa6: {  	[sflag:s22] =	ssyncadd.s32 s4;
	_ =	sdelay $0x1  }
0xa7: {  	s23 =	simm.s32 $0x1B8B  }
0xa8: {  	_ =	swait.ge [sflag:s23], $0x1  }
0xa9: {  	[sflag:s23] =	ssyncset.done $0x0  }
0xaa: {  	s25 =	simm.s32 $0x1B8E;
	s24 =	sld [smem:$0x3FFE];
	[sflag:s23] =	ssyncadd.s32 $0xFFFFFFFF  }
0xab: {  	s26 =	simm.s32 $execute0_lowered;
	[smem:$0x3FD2] =	sst s25  }
0xac: {  	s5 =	sshll.u32 s26, $0x1;
	_ =	strace $0x80000046;
	[dreg:$0x1] =	wrdreg $0xFFFFFFFF  }
0xad: {  	s28 =	simm.s32 $_size_execute0_lowered;
	s3 =	sadd.s32 s3, s5;
	[dreg:$0x0] =	wrdreg $0x0  }
0xae: {  	s5 =	sshll.u32 s28, $0x1;
	[dreg:$0x2] =	wrdreg s3  }
0xaf: {  	[dreg:$0x3] =	wrdreg s5  }
0xb0: {  	[dreg:$0x4] =	wrdreg $0xC0  }
0xb1: {  	_ =	task [dreg:s7], $0x5FFFF  }
0xb2: {  	[dreg:$0x1] =	wrdreg $0xFFFFFFFF  }
0xb3: {  	[dreg:$0x0] =	wrdreg $0x60  }
0xb4: {  	[dreg:$0x2] =	wrdreg s16  }
0xb5: {  	[dreg:$0x3] =	wrdreg s24  }
0xb6: {  	[dreg:$0x4] =	wrdreg $0x9  }
0xb7: {  	_ =	task.clear_ibuf [dreg:s7], $0x5FFFF;
	_ =	strace $0x90000046  }
0xb8: {  	s29 =	simm.s32 $0x9;
	_ =	strace $0x80000048  }
0xb9: {  	_ =	swait.ge [sflag:s29], $0x1  }
0xba: {  	[sflag:s29] =	ssyncadd.s32 $0xFFFFFFFF  }
0xbb: {  	_ =	strace $0x90000048  }
0xbc: {  	_ =	sfence  }
0xbd: {  	s30 =	sld [smem:$0x0];
	_ =	sdelay $0x2  }
0xbe: {  	s31 =	sshll.u32 s1, $0xD;
	s1 =	sshrl.u32 s1, $0x2  }
0xbf: {  	s3 =	sand.u32 $0x4000, s31;
	s1 =	sadd.s32 s1, s30  }
0xc0: {  	s0 =	sor.u32 s3, s0;
	s1 =	sshll.u32 s1, $0x11  }
0xc1: {  	s0 =	sor.u32 s1, s0  }
0xc2: {  	s0 =	sadd.s32 $0x8F2B, s0  }
0xc3: {  	[sflag:s0] =	ssyncadd.remote.s32 $0x1  }
0xc4: {  	_ =	sfence.sel $0xFFFF  }
0xc5: {  	[dreg:$0x0] =	wrdreg $0xFFFFFFFF;
	(pc) =	sbr.abs _section_cstart, $3  }
0xc6: {  	[dreg:$0x1] =	wrdreg $0xFFFFFFFF  }
0xc7: {  	_ =	task.clear_ibuf [dreg:s7], $0x2FFFF;
	_ =	strace $0x9FFFFFFF  }
0xc8: {  	(tm) =	ssettm $0x7FFFFFFF  }
0xc9: {  	_ =	shalt  }
tec
execute0_lowered:
.L_overlay_start_1:
0x0: {  	(tag) =	ssettag $0x1  }
0x1: {  	s1 =	rddreg [dreg:$0x0]  }
0x2: {  	s9 =	rddreg [dreg:$0x1];
	s2 =	simm.s32 $0x0  }
0x3: {  	s3 =	srdreg.scid;
	s13 =	simm.s32 $0xC000;
	s14 =	simm.s32 $0x1  }
0x4: {  	s15 =	simm.s32 $0xE000;
	s16 =	simm.s32 $0x10000;
	s17 =	simm.s32 $0x12000  }
0x5: {  	s18 =	simm.s32 $0x12400;
	s19 =	simm.s32 $0x12800;
	s20 =	simm.s32 $0x12C00  }
0x6: {  	s21 =	simm.s32 $0x0;
	[smem:$0x7FF] =	sst s2;
	s4 =	sadd.s32 $0xE00, s9  }
0x7: {  	s5 =	sand.u32 $0x1, s3;
	s3 =	stileid.u32;
	_ =	strace $0x80000047  }
.Ltmp0:
0x8: {  	s7 =	ssub.s32 $0x2, s5;
	s6 =	sshll.u32 s5, $0x4;
	(pc) =	sbr.rel .LBB2_1-.Ltmp0, $4  }
0x9: {  	v0 =	vlaneseq.u32;
	s5 =	sadd.s32 $0x1A00, s9;
	s8 =	sshrl.u32 s7, $0x1;
	s10 =	sor.u32 s3, s6  }
0xa: {  	v0 =	vmul.u32 $0x20, v0;
	s6 =	sadd.s32 $0x49A00, s9;
	s11 =	ssub.s32 s7, s8;
	s7 =	sshll.u32 s10, $0x5  }
0xb: {  	s8 =	sadd.s32 $0x1200, s9;
	s9 =	sadd.s32 $0x1600, s9;
	s12 =	sand.u32 $0x60, s7  }
0xc: {  	v40 =	vimm.s32 $0x0;
	v2 =	vor.u32 $0x200, v0;
	s10 =	sshll.u32 s10, $0xA;
	s11 =	smax.u32 s11, $0x1;
	s12 =	sor.u32 $0x10, s12  }
.LBB2_7:
0xd: {  	s21 =	sadd.s32 $0x1, s21  }
0xe: {  	p0 =	sne.s32 s21, s11  }
.Ltmp1:
0xf: {  	_ = 	snop;
	(pc) =	sbr.rel @!p0 .LBB2_8-.Ltmp1, $1  }
0x10: {  	_ =	sdelay $0x3  }
.LBB2_1:
0x11: {  	[tilespmem:s13], [sflag:$0x1] =	stream.linear.gather [hbm4b:s4+s2], $0x2000, $0x38;
	[tilespmem:$0x12C80] =	vst v63  }
0x12: {  	_ =	swait.ge [sflag:s14], $0x2000  }
0x13: {  	[sflag:s14] =	ssyncset.done $0x0  }
0x14: {  	[sflag:s14] =	ssyncadd.s32 $0xFFFFE000  }
0x15: {  	[tilespmem:s15], [sflag:$0x1] =	stream.linear.gather [hbm4b:s8+s2], $0x2000, $0x38;
	[tilespmem:$0x12C80] =	vst v63  }
0x16: {  	_ =	swait.ge [sflag:s14], $0x2000  }
0x17: {  	[sflag:s14] =	ssyncset.done $0x0  }
.Ltmp2:
0x18: {  	[sflag:s14] =	ssyncadd.s32 $0xFFFFE000;
	(pc) =	sbr.rel .LBB2_2-.Ltmp2, $4  }
0x19: {  	[tilespmem:s16], [sflag:$0x1] =	stream.linear.gather [hbm4b:s9+s2], $0x2000, $0x38;
	[tilespmem:$0x12C80] =	vst v63  }
0x1a: {  	_ =	swait.ge [sflag:s14], $0x2000  }
0x1b: {  	[sflag:s14] =	ssyncset.done $0x0  }
0x1c: {  	s23 =	simm.s32 $0xFFFFFFFF;
	s22 =	simm.s32 $0x0;
	[sflag:s14] =	ssyncadd.s32 $0xFFFFE000  }
.LBB2_6:
0x1d: {  	v1 =	vld [tilespmem:s26+$0xC000]  }
0x1e: {  	v3 =	vld [tilespmem:s26+$0xE000]  }
0x1f: {  	v4 =	vld [tilespmem:s26+$0x10000]  }
0x20: {  	v5 =	vld.msk [tilespmem:s24+$0x0 ss:$0x0], $0xffff  }
0x21: {  	vm0 =	veq.s32 v16, $0x0;
	v6 =	vld.msk [tilespmem:s24+$0x4000 ss:$0x0], $0xffff  }
0x22: {  	v7 =	vld.msk [tilespmem:s24+$0x8000 ss:$0x0], $0xffff  }
0x23: {  	v8 =	vld [tilespmem:s25+$0xC000]  }
0x24: {  	v9 =	vld [tilespmem:s25+$0xE000];
	vm1 =	veq.s32 v37, $0x0  }
0x25: {  	v10 =	vld [tilespmem:s25+$0x10000];
	v1 =	vsub.f32 v5, v1  }
0x26: {  	v3 =	vsub.f32 v6, v3  }
0x27: {  	[tilespmem:v0+s17+$0x0] =	vst.idx.msk vm0, v1;
	v1 =	vsub.f32 v7, v4  }
0x28: {  	[tilespmem:v0+s18+$0x0] =	vst.idx.msk vm0, v3;
	v3 =	vsub.f32 v5, v8  }
0x29: {  	[tilespmem:v0+s19+$0x0] =	vst.idx.msk vm0, v1;
	v1 =	vsub.f32 v6, v9  }
0x2a: {  	s0 =	smul.u32 $0x18000, s22;
	[tilespmem:v2+s17+$0x0] =	vst.idx.msk vm1, v3;
	v3 =	vsub.f32 v7, v10  }
0x2b: {  	vm14 =	vgt.s32 v16, $0x1;
	[tilespmem:v2+s18+$0x0] =	vst.idx.msk vm1, v1  }
0x2c: {  	vm15 =	vgt.s32 v37, $0x1;
	s0 =	sor.u32 s10, s0;
	v1 =	vnsel vm14, $0x1, v16;
	[tilespmem:v2+s19+$0x0] =	vst.idx.msk vm1, v3  }
0x2d: {  	s0 =	sshrl.u32 s0, $0x3;
	[tilespmem:$0x12C00] =	vst v1;
	v1 =	vnsel vm15, $0x1, v37  }
0x2e: {  	s0 =	sadd.s32 s5, s0;
	[tilespmem:$0x12C10] =	vst v1  }
0x2f: {  	[hbm4b:s0+s2] =	stream.linear.scatter [tilespmem:s17], [sflag:$0x1], $0x400, $0x38;
	[tilespmem:$0x12C80] =	vst v63  }
0x30: {  	_ =	swait.ge [sflag:s14], $0x400  }
0x31: {  	[sflag:s14] =	ssyncset.done $0x0  }
0x32: {  	s30 =	sadd.s32 $0x1000, s0;
	[sflag:s14] =	ssyncadd.s32 $0xFFFFFC00  }
0x33: {  	[hbm4b:s30+s2] =	stream.linear.scatter [tilespmem:s18], [sflag:$0x1], $0x400, $0x38;
	[tilespmem:$0x12C80] =	vst v63  }
0x34: {  	_ =	swait.ge [sflag:s14], $0x400  }
0x35: {  	[sflag:s14] =	ssyncset.done $0x0  }
0x36: {  	s31 =	sshll.u32 s22, $0xA;
	s0 =	sadd.s32 $0x2000, s0;
	[sflag:s14] =	ssyncadd.s32 $0xFFFFFC00  }
0x37: {  	[hbm4b:s0+s2] =	stream.linear.scatter [tilespmem:s19], [sflag:$0x1], $0x400, $0x38;
	[tilespmem:$0x12C80] =	vst v63  }
0x38: {  	s22 =	sadd.s32 $0x1, s22;
	s0 =	sor.u32 s7, s31;
	_ =	swait.ge [sflag:s14], $0x400  }
0x39: {  	p0 =	sne.s32 s22, $0x18;
	s0 =	sshrl.u32 s0, $0x3;
	[sflag:s14] =	ssyncset.done $0x0  }
.Ltmp3:
0x3a: {  	s0 =	sadd.s32 s6, s0;
	[sflag:s14] =	ssyncadd.s32 $0xFFFFFC00;
	(pc) =	sbr.rel @!p0 .LBB2_7-.Ltmp3, $4  }
0x3b: {  	[hbm4b:s0+s2] =	stream.linear.scatter [tilespmem:s20], [sflag:$0x1], $0x20, $0x38;
	[tilespmem:$0x12C80] =	vst v63  }
0x3c: {  	_ =	swait.ge [sflag:s14], $0x20  }
0x3d: {  	[sflag:s14] =	ssyncset.done $0x0  }
0x3e: {  	[sflag:s14] =	ssyncadd.s32 $0xFFFFFFE0  }
.LBB2_2:
0x3f: {  	s24 =	smul.u32 $0xAB, s22;
	_ =	sdelay $0x1  }
0x40: {  	s24 =	sshrl.u32 s24, $0x9  }
0x41: {  	s25 =	sand.u32 $0x3, s24  }
0x42: {  	p0 =	slt.u32 s22, $0x3;
	p1 =	sne.s32 s25, $0x0  }
0x43: {  	s26 =	simm.s32 $0x1;
	p0 =	por !p0, !p1  }
0x44: {  	s25 =	simm.s32 $0x1;
	p1 =	sgt.u32 s22, $0xB;
	p0 =	por !p0, !p0  }
0x45: {  	s25 =	simm.s32 @!p1 $0x0;
	s26 =	simm.s32 @!p0 $0x0  }
0x46: {  	s28 =	smov.u32 s23;
	s23 =	ssub.s32 s25, s26  }
0x47: {  	p0 =	seq.s32 s23, s28  }
0x48: {  	s25 =	smul.u32 @!p0 $0xC000, s23;
	_ =	sdelay $0x1  }
0x49: {  	s26 =	sshrl.u32 @!p0 s25, $0x3  }
0x4a: {  	s24 =	sand.u32 $0x7F, s24;
	s29 =	simm.s32 @!p0 $0x0;
	s26 =	sadd.s32 @!p0 s1, s26  }
0x4b: {  	[tilespmem:s29], [sflag:$0x1] =	stream.linear.gather @!p0 [hbm4b:s26+s29], $0x4000, $0x38;
	[tilespmem:$0x12C80] =	vst v63  }
0x4c: {  	s28 =	smul.u32 $0xFFFFFFFD, s24;
	s26 =	simm.s32 @!p0 $0x1  }
0x4d: {  	s31 =	sshll.u32 s23, $0x2;
	s30 =	sadd.s32 @!p0 $0x4000, s25;
	_ =	swait.ge @!p0 [sflag:s26], $0x4000  }
0x4e: {  	s0 =	simm.s32 @!p0 $0x4000;
	s30 =	sshrl.u32 @!p0 s30, $0x3;
	[sflag:s26] =	ssyncset.done @!p0 $0x0  }
0x4f: {  	s25 =	sadd.s32 @!p0 $0x8000, s25;
	s30 =	sadd.s32 @!p0 s1, s30;
	[sflag:s26] =	ssyncadd.s32 @!p0 $0xFFFFC000  }
0x50: {  	[tilespmem:s0], [sflag:$0x1] =	stream.linear.gather @!p0 [hbm4b:s30+s29], $0x4000, $0x38;
	[tilespmem:$0x12C80] =	vst v63  }
0x51: {  	s28 =	sadd.s32 s22, s28;
	s25 =	sshrl.u32 @!p0 s25, $0x3;
	_ =	swait.ge @!p0 [sflag:s26], $0x4000  }
0x52: {  	s25 =	sadd.s32 @!p0 s1, s25;
	s0 =	ssub.s32 s24, s31;
	[sflag:s26] =	ssyncset.done @!p0 $0x0  }
0x53: {  	s0 =	sadd.s32 s0, s28;
	s28 =	simm.s32 @!p0 $0x8000;
	[sflag:s26] =	ssyncadd.s32 @!p0 $0xFFFFC000  }
0x54: {  	[tilespmem:s28], [sflag:$0x1] =	stream.linear.gather @!p0 [hbm4b:s25+s29], $0x4000, $0x38;
	[tilespmem:$0x12C80] =	vst v63  }
0x55: {  	p1 =	sgt.s32 s0, $0x1;
	s25 =	smov.u32 s0  }
0x56: {  	_ =	swait.ge @!p0 [sflag:s26], $0x4000;
	s25 =	simm.s32 @!p1 $0x1  }
0x57: {  	[sflag:s26] =	ssyncset.done @!p0 $0x0;
	s25 =	smin.u32 s25, $0x4  }
0x58: {  	[sflag:s26] =	ssyncadd.s32 @!p0 $0xFFFFC000;
	s25 =	sshll.u32 s25, $0xC  }
0x59: {  	v37 =	vimm.s32 $0x0;
	p0 =	seq.s32 s0, $0x5;
	s26 =	sshll.u32 s24, $0xA;
	s24 =	sadd.s32 $0xFFFFF000, s25  }
.Ltmp4:
0x5a: {  	[tilespmem:$0x12C00] =	vst v37;
	s24 =	simm.s32 @p0 $0x0;
	(pc) =	sbr.rel .LBB2_3-.Ltmp4, $4  }
0x5b: {  	s26 =	sor.u32 s7, s26;
	[tilespmem:$0x12C10] =	vst v37;
	s0 =	sadd.s32 $0x4000, s24;
	v1 =	vmov s24  }
0x5c: {  	s28 =	simm.s32 $0x0;
	s25 =	sand.u32 $0x3F80, s26;
	s31 =	sadd.s32 $0x8000, s24;
	[tilespmem:$0x1FFD0] =	vst v1;
	v1 =	vmov s0  }
0x5d: {  	[smem:$0x0] =	sst s28;
	s25 =	sor.u32 s12, s25;
	[tilespmem:$0x1FFE0] =	vst v1;
	v1 =	vmov s31  }
0x5e: {  	v16 =	vimm.s32 $0x0;
	s29 =	sor.u32 $0xC000, s25;
	s30 =	sor.u32 $0x10000, s25;
	s31 =	simm.s32 $0x0;
	[tilespmem:$0x1FFF0] =	vst v1  }
.LBB2_5:
0x5f: {  	s28 =	sadd.s32 $0x40, s28  }
0x60: {  	p0 =	sne.s32 s28, $0x4000  }
.Ltmp5:
0x61: {  	_ = 	snop;
	(pc) =	sbr.rel @!p0 .LBB2_6-.Ltmp5, $1  }
0x62: {  	_ =	sdelay $0x3  }
.LBB2_3:
0x63: {  	p0 =	sgt.s32 s31, $0x1F  }
.Ltmp6:
0x64: {  	_ = 	snop;
	(pc) =	sbr.rel @p0 .LBB2_5-.Ltmp6, $1  }
0x65: {  	_ =	sdelay $0x3  }
0x66: {  	v1 =	vld [tilespmem:$0x1FFD0];
	_ =	sdelay $0x6  }
0x67: {  	s0 =	sshra.s32 s28, $0x2  }
0x68: {  	v13 =	vld.idx.msk [tilespmem:v1+s0+$0x0 ss:$0x1], $0xffff  }
0x69: {  	v1 =	vld [tilespmem:$0x1FFE0];
	_ =	sdelay $0x7  }
0x6a: {  	v14 =	vld.idx.msk [tilespmem:v1+s0+$0x0 ss:$0x1], $0xffff  }
0x6b: {  	v1 =	vld [tilespmem:$0x1FFF0];
	_ =	sdelay $0x4  }
0x6c: {  	v7 =	vld [tilespmem:s26+$0xC000]  }
0x6d: {  	v8 =	vld [tilespmem:s26+$0xE000]  }
0x6e: {  	v10 =	vld [tilespmem:s29+$0x0]  }
0x6f: {  	v3 =	vbroadcast v13, $0x0;
	v9 =	vld.idx.msk [tilespmem:v1+s0+$0x0 ss:$0x1], $0xffff  }
0x70: {  	v11 =	vld [tilespmem:s25+$0xE000];
	v17 =	vbroadcast v14, $0x0  }
0x71: {  	v6 =	vld [tilespmem:s26+$0x10000];
	v61 =	vsub.f32 v3, v7  }
0x72: {  	v60 =	vsub.f32 v17, v8  }
0x73: {  	vm1 =	vlt.s32 v16, $0x20;
	v19 =	vmul.f32 v61, v61;
	v34 =	vbroadcast v14, $0x3  }
0x74: {  	v12 =	vld [tilespmem:s30+$0x0];
	v58 =	vsub.f32 v3, v10;
	v20 =	vmul.f32 v60, v60;
	v18 =	vbroadcast v9, $0x0  }
0x75: {  	vm2 =	vlt.s32 v37, $0x20;
	v54 =	vsub.f32 v17, v11;
	v52 =	vsub.f32 v34, v8  }
0x76: {  	v19 =	vadd.f32 v20, v19;
	v20 =	vbroadcast v14, $0x4;
	v57 =	vsub.f32 v18, v6  }
0x77: {  	v17 =	vmul.f32 v58, v58;
	v43 =	vsub.f32 v34, v11;
	v23 =	vmul.f32 v52, v52  }
0x78: {  	v28 =	vbroadcast v9, $0x1;
	v5 =	vsub.f32 v20, v8;
	v27 =	vmul.f32 v57, v57  }
0x79: {  	v29 =	vbroadcast v9, $0x2;
	v15 =	vsub.f32 v20, v11;
	v50 =	vsub.f32 v18, v12  }
0x7a: {  	v36 =	vmul.f32 v43, v43;
	v1 =	vsub.f32 v28, v6;
	v3 =	vadd.f32 v27, v19  }
0x7b: {  	v18 =	vmul.f32 v54, v54;
	v46 =	vsub.f32 v28, v12;
	v47 =	vsub.f32 v29, v6  }
0x7c: {  	v19 =	vbroadcast v14, $0x1;
	vm0 =	vle.f32 v3, $8.100000020e-01;
	v3 =	vbroadcast v13, $0x1  }
0x7d: {  	v35 =	vbroadcast v9, $0x3;
	v42 =	vsub.f32 v29, v12;
	v17 =	vadd.f32 v18, v17  }
0x7e: {  	v18 =	vmul.f32 v50, v50;
	v55 =	vsub.f32 v19, v8;
	v59 =	vsub.f32 v3, v7  }
0x7f: {  	v25 =	vbroadcast v9, $0x4;
	v48 =	vsub.f32 v35, v6;
	v44 =	vsub.f32 v35, v12  }
0x80: {  	v17 =	vadd.f32 v18, v17;
	v21 =	vmul.f32 v55, v55;
	v18 =	vmul.f32 v59, v59  }
0x81: {  	v26 =	vmul.f32 v5, v5;
	v35 =	vsub.f32 v25, v6;
	v20 =	vmul.f32 v15, v15  }
0x82: {  	vm9 =	vle.f32 v17, $8.100000020e-01;
	v17 =	vadd.f32 v21, v18;
	v18 =	vmul.f32 v1, v1  }
0x83: {  	[tilespmem:$0x1FF30] =	vst v15;
	v15 =	vsub.f32 v25, v12;
	v24 =	vmul.f32 v48, v48;
	v51 =	vsub.f32 v3, v10  }
0x84: {  	v29 =	vmul.f32 v44, v44;
	v45 =	vsub.f32 v19, v11;
	v3 =	vadd.f32 v18, v17  }
0x85: {  	v19 =	vbroadcast v14, $0x2;
	vm1 =	vmand vm1, vm0;
	v17 =	vmul.f32 v51, v51  }
0x86: {  	v18 =	vmul.f32 v45, v45;
	vm10 =	vle.f32 v3, $8.100000020e-01;
	v3 =	vbroadcast v13, $0x2  }
0x87: {  	vm4 =	vmand vm2, vm9;
	v22 =	vsel vm1, $0x1, v40;
	v39 =	vsub.f32 v19, v8  }
0x88: {  	v17 =	vadd.f32 v18, v17;
	v18 =	vmul.f32 v46, v46;
	v56 =	vsub.f32 v3, v7  }
0x89: {  	v30 =	vsel vm4, $0x1, v40;
	v41 =	vsub.f32 v19, v11;
	v62 =	vadd.s32 v22, v16  }
0x8a: {  	v31 =	vmul.f32 v39, v39;
	v17 =	vadd.f32 v18, v17;
	v18 =	vmul.f32 v56, v56  }
0x8b: {  	v63 =	vadd.s32 v30, v37;
	v30 =	vmul.f32 v35, v35;
	vm11 =	vlt.s32 v62, $0x20  }
0x8c: {  	vm12 =	vle.f32 v17, $8.100000020e-01;
	v17 =	vadd.f32 v31, v18;
	v18 =	vmul.f32 v47, v47  }
0x8d: {  	v16 =	vadd.s32 v0, v16;
	vm0 =	vmand vm10, vm11;
	v49 =	vsub.f32 v3, v10  }
0x8e: {  	vm3 =	vlt.s32 v63, $0x20;
	v32 =	vsel vm0, $0x1, v40;
	v17 =	vadd.f32 v18, v17  }
0x8f: {  	v19 =	vmul.f32 v41, v41;
	v3 =	vadd.s32 v32, v62;
	v18 =	vmul.f32 v49, v49  }
0x90: {  	vm2 =	vmand vm12, vm3;
	vm13 =	vle.f32 v17, $8.100000020e-01;
	v17 =	vbroadcast v13, $0x3  }
0x91: {  	v33 =	vsel vm2, $0x1, v40;
	v18 =	vadd.f32 v19, v18;
	v19 =	vmul.f32 v42, v42  }
0x92: {  	v53 =	vsub.f32 v17, v7;
	v38 =	vsub.f32 v17, v10;
	v17 =	vbroadcast v13, $0x4  }
0x93: {  	v32 =	vbroadcast v13, $0x5;
	vm5 =	vlt.s32 v3, $0x20;
	v4 =	vadd.s32 v33, v63  }
0x94: {  	v18 =	vadd.f32 v19, v18;
	v19 =	vmul.f32 v53, v53;
	v31 =	vsub.f32 v17, v7  }
0x95: {  	v33 =	vbroadcast v14, $0x5;
	vm11 =	vlt.s32 v4, $0x20;
	v21 =	vmul.f32 v38, v38  }
0x96: {  	vm3 =	vmand vm13, vm5;
	v19 =	vadd.f32 v23, v19;
	v28 =	vmul.f32 v31, v31  }
0x97: {  	[tilespmem:$0x1FF20] =	vst v5;
	v34 =	vsub.f32 v33, v8;
	v5 =	vsel vm3, $0x1, v40;
	v21 =	vadd.f32 v36, v21  }
0x98: {  	v5 =	vadd.s32 v5, v3;
	v19 =	vadd.f32 v24, v19;
	v22 =	vadd.f32 v26, v28  }
0x99: {  	vm6 =	vle.f32 v18, $8.100000020e-01;
	v26 =	vsub.f32 v17, v10;
	v17 =	vadd.f32 v29, v21  }
0x9a: {  	vm12 =	vlt.s32 v5, $0x20;
	v21 =	vsub.f32 v32, v10;
	v18 =	vadd.f32 v30, v22  }
0x9b: {  	v24 =	vsub.f32 v32, v7;
	vm8 =	vle.f32 v19, $8.100000020e-01;
	v19 =	vmul.f32 v26, v26  }
0x9c: {  	vm5 =	vle.f32 v17, $8.100000020e-01;
	[tilespmem:$0x1FF60] =	vst v21;
	v21 =	vmul.f32 v21, v21;
	vm7 =	vle.f32 v18, $8.100000020e-01  }
0x9d: {  	v17 =	vadd.f32 v20, v19;
	v18 =	vmul.f32 v15, v15;
	v19 =	vbroadcast v9, $0x5  }
0x9e: {  	[tilespmem:$0x1FF40] =	vst v15;
	v30 =	vbroadcast v14, $0x6;
	v15 =	vsub.f32 v33, v11;
	v20 =	vmul.f32 v34, v34  }
0x9f: {  	v17 =	vadd.f32 v18, v17;
	v18 =	vmul.f32 v24, v24;
	v25 =	vsub.f32 v19, v6  }
0xa0: {  	[tilespmem:$0x1FF70] =	vst v15;
	v22 =	vmul.f32 v15, v15;
	v15 =	vsub.f32 v19, v12;
	v19 =	vbroadcast v13, $0x6  }
0xa1: {  	v28 =	vsub.f32 v30, v11;
	v18 =	vadd.f32 v20, v18;
	v36 =	vmul.f32 v25, v25  }
0xa2: {  	[tilespmem:$0x1FF50] =	vst v34;
	v21 =	vadd.f32 v22, v21;
	v34 =	vmul.f32 v15, v15;
	v27 =	vsub.f32 v19, v7  }
0xa3: {  	[tilespmem:$0x1FF80] =	vst v15;
	v15 =	vbroadcast v9, $0x6;
	vm9 =	vle.f32 v17, $8.100000020e-01;
	v17 =	vsub.f32 v30, v8  }
0xa4: {  	vm6 =	vmand vm6, vm11;
	v19 =	vsub.f32 v19, v10;
	v18 =	vadd.f32 v36, v18  }
0xa5: {  	v22 =	vsub.f32 v15, v6;
	v32 =	vmul.f32 v27, v27;
	v33 =	vmul.f32 v17, v17  }
0xa6: {  	v36 =	vadd.f32 v34, v21;
	v20 =	vsub.f32 v15, v12;
	v15 =	vbroadcast v13, $0x7  }
0xa7: {  	vm14 =	vle.f32 v18, $8.100000020e-01;
	v18 =	vmul.f32 v22, v22;
	v21 =	vadd.f32 v33, v32  }
0xa8: {  	[tilespmem:$0x1FFA0] =	vst v28;
	vm10 =	vle.f32 v36, $8.100000020e-01;
	v36 =	vmul.f32 v28, v28;
	v28 =	vbroadcast v14, $0x7  }
0xa9: {  	vm12 =	vmand vm8, vm12;
	v34 =	vmul.f32 v19, v19;
	v29 =	vadd.f32 v18, v21  }
0xaa: {  	v30 =	vbroadcast v9, $0x7;
	v21 =	vsub.f32 v15, v7;
	v18 =	vsub.f32 v28, v8  }
0xab: {  	v32 =	vmul.f32 v20, v20;
	v23 =	vadd.f32 v36, v34;
	v36 =	vsel vm6, $0x1, v40  }
0xac: {  	vm13 =	vle.f32 v29, $8.100000020e-01;
	v33 =	vmul.f32 v21, v21;
	v34 =	vmul.f32 v18, v18  }
0xad: {  	[tilespmem:$0x1FF90] =	vst v27;
	v27 =	vadd.f32 v32, v23;
	v32 =	vsel vm12, $0x1, v40;
	v23 =	vsub.f32 v30, v6  }
0xae: {  	v32 =	vadd.s32 v32, v5;
	v29 =	vadd.f32 v34, v33;
	v33 =	vadd.s32 v36, v4  }
0xaf: {  	vm15 =	vlt.s32 v32, $0x20;
	v34 =	vmul.f32 v23, v23;
	vm8 =	vlt.s32 v33, $0x20  }
0xb0: {  	vm11 =	vmand vm5, vm8;
	vm8 =	vmand vm7, vm15  }
0xb1: {  	vm15 =	vle.f32 v27, $8.100000020e-01;
	v29 =	vadd.f32 v34, v29;
	v36 =	vsel vm8, $0x1, v40  }
0xb2: {  	v27 =	vsel vm11, $0x1, v40;
	v34 =	vadd.s32 v36, v32;
	v36 =	vadd.s32 v2, v37  }
0xb3: {  	v27 =	vadd.s32 v27, v33  }
0xb4: {  	[tilespmem:v16+s17+$0x0] =	vst.idx.msk vm1, v61;
	vm5 =	vlt.s32 v27, $0x20  }
0xb5: {  	[tilespmem:v16+s18+$0x0] =	vst.idx.msk vm1, v60;
	v37 =	vadd.s32 v0, v62;
	vm7 =	vlt.s32 v34, $0x20;
	vm9 =	vmand vm9, vm5  }
0xb6: {  	[tilespmem:v16+s19+$0x0] =	vst.idx.msk vm1, v57;
	v62 =	vadd.s32 v0, v3;
	vm5 =	vmand vm14, vm7;
	v3 =	vsel vm9, $0x1, v40  }
0xb7: {  	v61 =	vadd.s32 v2, v63;
	v63 =	vadd.s32 v3, v27;
	v3 =	vsel vm5, $0x1, v40;
	[tilespmem:v36+s17+$0x0] =	vst.idx.msk vm4, v58  }
0xb8: {  	v16 =	vadd.s32 v3, v34;
	[tilespmem:v36+s18+$0x0] =	vst.idx.msk vm4, v54  }
0xb9: {  	vm7 =	vlt.s32 v16, $0x20;
	[tilespmem:v36+s19+$0x0] =	vst.idx.msk vm4, v50  }
0xba: {  	vm7 =	vmand vm13, vm7;
	[tilespmem:v37+s17+$0x0] =	vst.idx.msk vm0, v59  }
0xbb: {  	v3 =	vadd.s32 v0, v34;
	v34 =	vsel vm7, $0x1, v40;
	[tilespmem:v37+s18+$0x0] =	vst.idx.msk vm0, v55  }
0xbc: {  	v50 =	vsub.f32 v28, v11;
	v28 =	vadd.s32 v34, v16;
	v34 =	vbroadcast v14, $0x8;
	[tilespmem:v37+s19+$0x0] =	vst.idx.msk vm0, v1  }
0xbd: {  	[tilespmem:v61+s17+$0x0] =	vst.idx.msk vm2, v51  }
0xbe: {  	v5 =	vadd.s32 v0, v5;
	vm14 =	vlt.s32 v63, $0x20;
	v1 =	vsub.f32 v34, v11;
	[tilespmem:v61+s18+$0x0] =	vst.idx.msk vm2, v45  }
0xbf: {  	v4 =	vadd.s32 v2, v4;
	v33 =	vadd.s32 v2, v33;
	vm10 =	vmand vm10, vm14;
	[tilespmem:v61+s19+$0x0] =	vst.idx.msk vm2, v46  }
0xc0: {  	v60 =	vadd.s32 v2, v27;
	v54 =	vsub.f32 v15, v10;
	v58 =	vsel vm10, $0x1, v40;
	[tilespmem:$0x1FFC0] =	vst v1  }
0xc1: {  	v15 =	vsub.f32 v30, v12;
	v27 =	vadd.s32 v58, v63;
	[tilespmem:v62+s17+$0x0] =	vst.idx.msk vm3, v56  }
0xc2: {  	v36 =	vmul.f32 v54, v54;
	v55 =	vmul.f32 v50, v50;
	[tilespmem:v62+s18+$0x0] =	vst.idx.msk vm3, v39  }
0xc3: {  	v57 =	vadd.s32 v0, v16;
	v30 =	vbroadcast v13, $0x8;
	vm13 =	vlt.s32 v27, $0x20;
	[tilespmem:v62+s19+$0x0] =	vst.idx.msk vm3, v47  }
0xc4: {  	v58 =	vadd.s32 v2, v63;
	vm1 =	vmand vm15, vm13;
	v16 =	vadd.f32 v55, v36;
	[tilespmem:v4+s17+$0x0] =	vst.idx.msk vm6, v49  }
0xc5: {  	v63 =	vsel vm1, $0x1, v40;
	v55 =	vsub.f32 v30, v7;
	v45 =	vsub.f32 v34, v8;
	[tilespmem:v4+s18+$0x0] =	vst.idx.msk vm6, v41  }
0xc6: {  	v56 =	vadd.s32 v63, v27;
	[tilespmem:v4+s19+$0x0] =	vst.idx.msk vm6, v42  }
0xc7: {  	v63 =	vmul.f32 v55, v55;
	v61 =	vmul.f32 v45, v45;
	[tilespmem:v5+s17+$0x0] =	vst.idx.msk vm12, v53  }
0xc8: {  	v32 =	vadd.s32 v0, v32;
	[tilespmem:v5+s18+$0x0] =	vst.idx.msk vm12, v52  }
0xc9: {  	v62 =	vadd.f32 v61, v63;
	v61 =	vmul.f32 v1, v1;
	v1 =	vld [tilespmem:$0x1FF20];
	[tilespmem:v5+s19+$0x0] =	vst.idx.msk vm12, v48  }
0xca: {  	[tilespmem:v33+s17+$0x0] =	vst.idx.msk vm11, v38  }
0xcb: {  	[tilespmem:v33+s18+$0x0] =	vst.idx.msk vm11, v43  }
0xcc: {  	[tilespmem:v33+s19+$0x0] =	vst.idx.msk vm11, v44  }
0xcd: {  	[tilespmem:v32+s17+$0x0] =	vst.idx.msk vm8, v31  }
0xce: {  	[tilespmem:v32+s18+$0x0] =	vst.idx.msk vm8, v1;
	v1 =	vld [tilespmem:$0x1FF30]  }
0xcf: {  	vm14 =	vle.f32 v29, $8.100000020e-01;
	v59 =	vmul.f32 v15, v15;
	vm15 =	vlt.s32 v28, $0x20  }
0xd0: {  	v29 =	vbroadcast v9, $0x8;
	vm0 =	vmand vm14, vm15  }
0xd1: {  	v51 =	vsel vm0, $0x1, v40;
	v16 =	vadd.f32 v59, v16;
	v46 =	vsub.f32 v30, v10;
	[tilespmem:v32+s19+$0x0] =	vst.idx.msk vm8, v35  }
0xd2: {  	v34 =	vbroadcast v13, $0x9;
	v59 =	vadd.s32 v51, v28;
	v51 =	vsub.f32 v29, v6;
	[tilespmem:v60+s17+$0x0] =	vst.idx.msk vm9, v26  }
0xd3: {  	vm13 =	vle.f32 v16, $8.100000020e-01;
	vm14 =	vlt.s32 v56, $0x20;
	v47 =	vmul.f32 v46, v46;
	[tilespmem:v60+s18+$0x0] =	vst.idx.msk vm9, v1;
	v1 =	vld [tilespmem:$0x1FF40]  }
0xd4: {  	v37 =	vbroadcast v14, $0x9;
	v16 =	vsub.f32 v29, v12;
	vm2 =	vmand vm13, vm14  }
0xd5: {  	v63 =	vmul.f32 v51, v51;
	v29 =	vadd.f32 v61, v47;
	v47 =	vsub.f32 v34, v7  }
0xd6: {  	vm13 =	vlt.s32 v59, $0x20;
	v41 =	vsub.f32 v37, v8;
	v4 =	vbroadcast v9, $0x9  }
0xd7: {  	[tilespmem:$0x1FFB0] =	vst v15;
	v30 =	vadd.f32 v63, v62;
	v63 =	vmul.f32 v16, v16;
	v53 =	vmul.f32 v47, v47  }
0xd8: {  	v62 =	vsel vm2, $0x1, v40;
	v42 =	vmul.f32 v41, v41;
	v15 =	vsub.f32 v4, v6;
	[tilespmem:v60+s19+$0x0] =	vst.idx.msk vm9, v1;
	v1 =	vld [tilespmem:$0x1FF50]  }
0xd9: {  	v49 =	vsub.f32 v34, v10;
	v61 =	vadd.s32 v62, v56;
	vm15 =	vle.f32 v30, $8.100000020e-01  }
0xda: {  	v29 =	vadd.f32 v63, v29;
	v52 =	vadd.f32 v42, v53;
	v53 =	vmul.f32 v15, v15  }
0xdb: {  	v62 =	vadd.s32 v2, v27;
	v27 =	vbroadcast v14, $0xA;
	vm6 =	vmand vm15, vm13  }
0xdc: {  	vm15 =	vlt.s32 v61, $0x20;
	vm14 =	vle.f32 v29, $8.100000020e-01;
	v5 =	vadd.f32 v53, v52;
	[tilespmem:v3+s17+$0x0] =	vst.idx.msk vm5, v24  }
0xdd: {  	v48 =	vsub.f32 v37, v11;
	v37 =	vsub.f32 v27, v8;
	vm3 =	vmand vm14, vm15;
	[tilespmem:v3+s18+$0x0] =	vst.idx.msk vm5, v1;
	v1 =	vld [tilespmem:$0x1FF60]  }
0xde: {  	v30 =	vsel vm3, $0x1, v40;
	vm12 =	vle.f32 v5, $8.100000020e-01;
	v5 =	vbroadcast v13, $0xA  }
0xdf: {  	v43 =	vsub.f32 v4, v12;
	v34 =	vmul.f32 v48, v48;
	v33 =	vmul.f32 v49, v49  }
0xe0: {  	v52 =	vadd.s32 v30, v61;
	v30 =	vbroadcast v9, $0xA;
	v44 =	vsub.f32 v5, v7  }
0xe1: {  	v53 =	vmul.f32 v37, v37;
	v4 =	vadd.f32 v34, v33;
	[tilespmem:v3+s19+$0x0] =	vst.idx.msk vm5, v25  }
0xe2: {  	v63 =	vsel vm6, $0x1, v40;
	v38 =	vsub.f32 v30, v6;
	v39 =	vmul.f32 v44, v44;
	[tilespmem:v58+s17+$0x0] =	vst.idx.msk vm10, v1;
	v1 =	vld [tilespmem:$0x1FF70]  }
0xe3: {  	v63 =	vadd.s32 v63, v59;
	v33 =	vsub.f32 v27, v11;
	v42 =	vsub.f32 v5, v10  }
0xe4: {  	v29 =	vmul.f32 v43, v43;
	v35 =	vmul.f32 v38, v38;
	v34 =	vadd.f32 v53, v39  }
0xe5: {  	v36 =	vsub.f32 v30, v12;
	v39 =	vmul.f32 v42, v42;
	v53 =	vmul.f32 v33, v33  }
0xe6: {  	vm13 =	vlt.s32 v63, $0x20;
	v4 =	vadd.f32 v29, v4;
	v5 =	vadd.f32 v35, v34  }
0xe7: {  	vm8 =	vmand vm12, vm13;
	v32 =	vadd.f32 v53, v39;
	v34 =	vmul.f32 v36, v36;
	[tilespmem:v58+s18+$0x0] =	vst.idx.msk vm10, v1;
	v1 =	vld [tilespmem:$0x1FF80]  }
0xe8: {  	vm15 =	vlt.s32 v52, $0x20;
	v31 =	vsel vm8, $0x1, v40;
	vm14 =	vle.f32 v4, $8.100000020e-01  }
0xe9: {  	v53 =	vadd.s32 v31, v63;
	v39 =	vbroadcast v14, $0xB;
	v4 =	vadd.f32 v34, v32  }
0xea: {  	vm13 =	vlt.s32 v53, $0x20;
	vm9 =	vmand vm14, vm15;
	vm12 =	vle.f32 v5, $8.100000020e-01  }
0xeb: {  	vm4 =	vmand vm12, vm13;
	vm14 =	vle.f32 v4, $8.100000020e-01;
	v4 =	vbroadcast v13, $0xB  }
0xec: {  	v60 =	vadd.s32 v0, v28;
	v28 =	vsub.f32 v39, v8;
	v3 =	vsel vm4, $0x1, v40;
	[tilespmem:v58+s19+$0x0] =	vst.idx.msk vm10, v1;
	v1 =	vld [tilespmem:$0x1FF90]  }
0xed: {  	v30 =	vsub.f32 v4, v7;
	v34 =	vadd.s32 v3, v53;
	v3 =	vbroadcast v9, $0xB  }
0xee: {  	v5 =	vadd.s32 v2, v56  }
0xef: {  	v56 =	vmul.f32 v30, v30;
	v29 =	vsub.f32 v3, v6;
	v58 =	vmul.f32 v28, v28  }
0xf0: {  	v24 =	vsub.f32 v39, v11;
	v27 =	vsub.f32 v4, v10  }
0xf1: {  	v4 =	vadd.f32 v58, v56;
	[tilespmem:v57+s17+$0x0] =	vst.idx.msk vm7, v1;
	v1 =	vmul.f32 v29, v29  }
0xf2: {  	v35 =	vsel vm9, $0x1, v40;
	v39 =	vmul.f32 v24, v24  }
0xf3: {  	v26 =	vsub.f32 v3, v12;
	v3 =	vmul.f32 v27, v27;
	v1 =	vadd.f32 v1, v4  }
0xf4: {  	v59 =	vadd.s32 v0, v59;
	v32 =	vadd.s32 v35, v52;
	[tilespmem:v57+s18+$0x0] =	vst.idx.msk vm7, v17  }
0xf5: {  	v3 =	vadd.f32 v39, v3;
	v35 =	vmul.f32 v26, v26;
	[tilespmem:v57+s19+$0x0] =	vst.idx.msk vm7, v22;
	vm7 =	vle.f32 v1, $8.100000020e-01;
	v1 =	vld [tilespmem:$0x1FFA0]  }
0xf6: {  	vm15 =	vlt.s32 v32, $0x20;
	v58 =	vbroadcast v14, $0xC;
	v17 =	vbroadcast v13, $0xC  }
0xf7: {  	vm5 =	vmand vm14, vm15;
	v39 =	vbroadcast v9, $0xC;
	v3 =	vadd.f32 v35, v3  }
0xf8: {  	v31 =	vsel vm5, $0x1, v40;
	v25 =	vsub.f32 v58, v8;
	v22 =	vsub.f32 v17, v7  }
0xf9: {  	vm11 =	vle.f32 v3, $8.100000020e-01;
	v56 =	vadd.s32 v31, v32;
	v31 =	vsub.f32 v39, v6;
	[tilespmem:v62+s17+$0x0] =	vst.idx.msk vm1, v19  }
0xfa: {  	vm10 =	vlt.s32 v34, $0x20;
	v57 =	vmul.f32 v25, v25;
	v4 =	vmul.f32 v22, v22;
	[tilespmem:v62+s18+$0x0] =	vst.idx.msk vm1, v1  }
0xfb: {  	v32 =	vadd.s32 v2, v32;
	vm12 =	vlt.s32 v56, $0x20;
	v3 =	vmul.f32 v31, v31;
	[tilespmem:v62+s19+$0x0] =	vst.idx.msk vm1, v20  }
0xfc: {  	vm7 =	vmand vm7, vm10;
	v1 =	vadd.f32 v57, v4;
	v4 =	vadd.s32 v2, v61;
	[tilespmem:v60+s17+$0x0] =	vst.idx.msk vm0, v21  }
0xfd: {  	v19 =	vsel vm7, $0x1, v40;
	[tilespmem:v60+s18+$0x0] =	vst.idx.msk vm0, v18;
	v18 =	vsub.f32 v17, v10;
	v17 =	vsub.f32 v58, v11  }
0xfe: {  	v61 =	vadd.s32 v0, v63;
	v57 =	vadd.s32 v19, v34;
	v1 =	vadd.f32 v3, v1  }
0xff: {  	vm1 =	vmand vm11, vm12;
	v3 =	vmul.f32 v18, v18;
	v63 =	vmul.f32 v17, v17  }
0x100: {  	v58 =	vbroadcast v14, $0xD;
	vm12 =	vle.f32 v1, $8.100000020e-01;
	[tilespmem:v60+s19+$0x0] =	vst.idx.msk vm0, v23;
	v1 =	vbroadcast v13, $0xD  }
0x101: {  	v19 =	vsub.f32 v39, v12;
	v39 =	vbroadcast v9, $0xD;
	[tilespmem:v5+s17+$0x0] =	vst.idx.msk vm2, v54;
	v54 =	vadd.f32 v63, v3;
	v3 =	vld [tilespmem:$0x1FFB0]  }
0x102: {  	v34 =	vadd.s32 v0, v34;
	v20 =	vsub.f32 v58, v8;
	v21 =	vsub.f32 v1, v7  }
0x103: {  	vm13 =	vlt.s32 v57, $0x20;
	v35 =	vsel vm1, $0x1, v40;
	v60 =	vmul.f32 v19, v19  }
0x104: {  	v35 =	vadd.s32 v35, v56;
	v63 =	vmul.f32 v20, v20;
	v62 =	vmul.f32 v21, v21  }
0x105: {  	v23 =	vsub.f32 v39, v6;
	vm15 =	vlt.s32 v35, $0x20;
	[tilespmem:v5+s18+$0x0] =	vst.idx.msk vm2, v50;
	v50 =	vsub.f32 v58, v11  }
0x106: {  	vm0 =	vmand vm12, vm13;
	v58 =	vadd.f32 v63, v62;
	[tilespmem:v5+s19+$0x0] =	vst.idx.msk vm2, v3;
	v3 =	vsub.f32 v1, v10  }
0x107: {  	v62 =	vmul.f32 v50, v50;
	v63 =	vbroadcast v9, $0xE;
	v1 =	vadd.f32 v60, v54  }
0x108: {  	v60 =	vmul.f32 v23, v23;
	v54 =	vsub.f32 v39, v12;
	v39 =	vmul.f32 v3, v3  }
0x109: {  	v9 =	vbroadcast v9, $0xF;
	v5 =	vsel vm0, $0x1, v40;
	[tilespmem:v59+s17+$0x0] =	vst.idx.msk vm6, v55;
	v55 =	vbroadcast v14, $0xE  }
0x10a: {  	v58 =	vadd.f32 v60, v58;
	v60 =	vmul.f32 v54, v54;
	v39 =	vadd.f32 v62, v39  }
0x10b: {  	v5 =	vadd.s32 v5, v57;
	vm14 =	vle.f32 v1, $8.100000020e-01;
	v1 =	vbroadcast v13, $0xE;
	[tilespmem:v59+s18+$0x0] =	vst.idx.msk vm6, v45  }
0x10c: {  	v14 =	vbroadcast v14, $0xF;
	[tilespmem:v59+s19+$0x0] =	vst.idx.msk vm6, v51;
	v51 =	vsub.f32 v63, v6;
	v39 =	vadd.f32 v60, v39;
	v60 =	vld [tilespmem:$0x1FFC0]  }
0x10d: {  	v13 =	vbroadcast v13, $0xF;
	v45 =	vsub.f32 v1, v7;
	v62 =	vsub.f32 v55, v8  }
0x10e: {  	v6 =	vsub.f32 v9, v6;
	v9 =	vsub.f32 v9, v12;
	vm12 =	vle.f32 v58, $8.100000020e-01;
	[tilespmem:v4+s17+$0x0] =	vst.idx.msk vm3, v46  }
0x10f: {  	v1 =	vsub.f32 v1, v10;
	v58 =	vmul.f32 v45, v45;
	v59 =	vmul.f32 v62, v62  }
0x110: {  	v46 =	vadd.s32 v2, v52;
	v7 =	vsub.f32 v13, v7;
	v8 =	vsub.f32 v14, v8  }
0x111: {  	vm2 =	vmand vm14, vm15;
	v10 =	vsub.f32 v13, v10;
	v58 =	vadd.f32 v59, v58;
	[tilespmem:v4+s18+$0x0] =	vst.idx.msk vm3, v60  }
0x112: {  	vm14 =	vle.f32 v39, $8.100000020e-01;
	v39 =	vsub.f32 v63, v12;
	v60 =	vmul.f32 v51, v51;
	[tilespmem:v4+s19+$0x0] =	vst.idx.msk vm3, v16  }
0x113: {  	vm13 =	vlt.s32 v5, $0x20;
	v59 =	vmul.f32 v1, v1;
	v4 =	vsub.f32 v55, v11;
	[tilespmem:v61+s17+$0x0] =	vst.idx.msk vm8, v47  }
0x114: {  	v52 =	vsel vm2, $0x1, v40;
	v16 =	vadd.f32 v60, v58;
	v60 =	vmul.f32 v39, v39;
	[tilespmem:v61+s18+$0x0] =	vst.idx.msk vm8, v41  }
0x115: {  	vm3 =	vmand vm12, vm13;
	v55 =	vmul.f32 v4, v4;
	[tilespmem:v61+s19+$0x0] =	vst.idx.msk vm8, v15;
	v15 =	vadd.s32 v0, v53  }
0x116: {  	v41 =	vadd.s32 v52, v35;
	vm15 =	vle.f32 v16, $8.100000020e-01;
	v16 =	vsel vm3, $0x1, v40  }
0x117: {  	vm12 =	vlt.s32 v41, $0x20;
	v52 =	vadd.s32 v16, v5;
	v16 =	vadd.f32 v55, v59;
	[tilespmem:v46+s17+$0x0] =	vst.idx.msk vm9, v49  }
0x118: {  	v11 =	vsub.f32 v14, v11;
	v53 =	vadd.s32 v2, v56;
	vm8 =	vmand vm14, vm12;
	[tilespmem:v46+s18+$0x0] =	vst.idx.msk vm9, v48  }
0x119: {  	v49 =	vmul.f32 v6, v6;
	vm13 =	vlt.s32 v52, $0x20;
	v16 =	vadd.f32 v60, v16;
	[tilespmem:v46+s19+$0x0] =	vst.idx.msk vm9, v43  }
0x11a: {  	v63 =	vsel vm8, $0x1, v40;
	v46 =	vmul.f32 v8, v8;
	[tilespmem:v15+s17+$0x0] =	vst.idx.msk vm4, v44;
	v44 =	vmul.f32 v7, v7  }
0x11b: {  	v48 =	vmul.f32 v10, v10;
	vm14 =	vle.f32 v16, $8.100000020e-01;
	v16 =	vmul.f32 v11, v11  }
0x11c: {  	vm6 =	vmand vm15, vm13;
	v47 =	vadd.s32 v63, v41;
	[tilespmem:v15+s18+$0x0] =	vst.idx.msk vm4, v37;
	v13 =	vadd.f32 v46, v44  }
0x11d: {  	vm15 =	vlt.s32 v47, $0x20;
	[tilespmem:v15+s19+$0x0] =	vst.idx.msk vm4, v38;
	v12 =	vadd.f32 v16, v48;
	v15 =	vmul.f32 v9, v9  }
0x11e: {  	v55 =	vsel vm6, $0x1, v40;
	vm4 =	vmand vm14, vm15;
	[tilespmem:v32+s17+$0x0] =	vst.idx.msk vm5, v42;
	v13 =	vadd.f32 v49, v13  }
0x11f: {  	v14 =	vadd.s32 v55, v52;
	[tilespmem:v32+s18+$0x0] =	vst.idx.msk vm5, v33;
	v12 =	vadd.f32 v15, v12;
	v15 =	vsel vm4, $0x1, v40  }
0x120: {  	vm13 =	vlt.s32 v14, $0x20;
	[tilespmem:v32+s19+$0x0] =	vst.idx.msk vm5, v36;
	v56 =	vadd.s32 v15, v47;
	vm12 =	vle.f32 v13, $8.100000020e-01  }
0x121: {  	[tilespmem:v34+s17+$0x0] =	vst.idx.msk vm7, v30;
	vm14 =	vle.f32 v12, $8.100000020e-01;
	vm15 =	vlt.s32 v56, $0x20;
	vm9 =	vmand vm12, vm13  }
0x122: {  	v57 =	vadd.s32 v0, v57;
	vm5 =	vmand vm14, vm15;
	[tilespmem:v34+s18+$0x0] =	vst.idx.msk vm7, v28;
	v15 =	vsel vm9, $0x1, v40  }
0x123: {  	[tilespmem:v34+s19+$0x0] =	vst.idx.msk vm7, v29;
	v16 =	vadd.s32 v15, v14;
	v15 =	vsel vm5, $0x1, v40  }
0x124: {  	[tilespmem:v53+s17+$0x0] =	vst.idx.msk vm1, v27;
	v37 =	vadd.s32 v15, v56;
	v15 =	vxor.u32 $0x80000000, v16  }
0x125: {  	v58 =	vadd.s32 v2, v35;
	[tilespmem:v53+s18+$0x0] =	vst.idx.msk vm1, v24;
	(xrf0) =	vmin.scan.msk.u32 $0xffff, v15;
	v15 =	vxor.u32 $0x80000000, v37  }
0x126: {  	[tilespmem:v53+s19+$0x0] =	vst.idx.msk vm1, v26;
	(xrf0) =	vmin.scan.msk.u32 $0xffff, v15  }
0x127: {  	[tilespmem:v57+s17+$0x0] =	vst.idx.msk vm0, v22  }
0x128: {  	v5 =	vadd.s32 v0, v5;
	[tilespmem:v57+s18+$0x0] =	vst.idx.msk vm0, v25  }
0x129: {  	[tilespmem:v57+s19+$0x0] =	vst.idx.msk vm0, v31  }
0x12a: {  	[tilespmem:v58+s17+$0x0] =	vst.idx.msk vm2, v18  }
0x12b: {  	v15 =	vadd.s32 v2, v41;
	[tilespmem:v58+s18+$0x0] =	vst.idx.msk vm2, v17;
	v59, _, _ =	vpop (xrf0)  }
0x12c: {  	[tilespmem:v58+s19+$0x0] =	vst.idx.msk vm2, v19;
	(v2sf) =	vpush v59, $0xF;
	v60, _, _ =	vpop (xrf0)  }
0x12d: {  	[tilespmem:v5+s17+$0x0] =	vst.idx.msk vm3, v21;
	(v2sf) =	vpush v60, $0xF  }
0x12e: {  	v61 =	vadd.s32 v0, v52;
	[tilespmem:v5+s18+$0x0] =	vst.idx.msk vm3, v20  }
0x12f: {  	[tilespmem:v5+s19+$0x0] =	vst.idx.msk vm3, v23  }
0x130: {  	[tilespmem:v15+s17+$0x0] =	vst.idx.msk vm8, v3  }
0x131: {  	v3 =	vadd.s32 v2, v47;
	[tilespmem:v15+s18+$0x0] =	vst.idx.msk vm8, v50  }
0x132: {  	[tilespmem:v15+s19+$0x0] =	vst.idx.msk vm8, v54  }
0x133: {  	[tilespmem:v61+s17+$0x0] =	vst.idx.msk vm6, v45  }
0x134: {  	v63 =	vadd.s32 v0, v14;
	[tilespmem:v61+s18+$0x0] =	vst.idx.msk vm6, v62  }
0x135: {  	[tilespmem:v61+s19+$0x0] =	vst.idx.msk vm6, v51  }
0x136: {  	[tilespmem:v3+s17+$0x0] =	vst.idx.msk vm4, v1  }
0x137: {  	v1 =	vadd.s32 v2, v56;
	[tilespmem:v3+s18+$0x0] =	vst.idx.msk vm4, v4  }
0x138: {  	[tilespmem:v3+s19+$0x0] =	vst.idx.msk vm4, v39  }
0x139: {  	[tilespmem:v63+s17+$0x0] =	vst.idx.msk vm9, v7  }
0x13a: {  	[tilespmem:v63+s18+$0x0] =	vst.idx.msk vm9, v8  }
0x13b: {  	[tilespmem:v63+s19+$0x0] =	vst.idx.msk vm9, v6;
	s0 =	spop (v2sf)  }
.Ltmp7:
0x13c: {  	[tilespmem:v1+s17+$0x0] =	vst.idx.msk vm5, v10;
	s31 =	spop (v2sf);
	(pc) =	sbr.rel .LBB2_5-.Ltmp7, $4  }
0x13d: {  	[tilespmem:v1+s18+$0x0] =	vst.idx.msk vm5, v11;
	s0 =	sxor.u32 $0x80000000, s0;
	s31 =	sxor.u32 $0x80000000, s31  }
0x13e: {  	[tilespmem:v1+s19+$0x0] =	vst.idx.msk vm5, v9;
	p0 =	slt.s32 s0, s31  }
0x13f: {  	[tilespmem:$0x12C00] =	vst v16;
	s31 =	smov.u32 @p0 s0  }
0x140: {  	[tilespmem:$0x12C10] =	vst v37;
	[smem:$0x0] =	sst s31  }
.LBB2_8:
0x141: {  	_ =	sfence.sel $0x180000  }
0x142: {  	[bflag:$0x0] =	sbarrier.arrive $0xFFFF  }
0x143: {  	_ =	strace $0x90000047  }
0x144: {  	[bflag:$0x2] =	sbarrier.arrive $0xFFFF  }
0x145: {  	p0 =	sne.s32 s3, $0x0;
	s0 =	rddreg [dreg:$0x2]  }
0x146: {  	s0 =	sadd.s32 @!p0 $0x100000, s0  }
0x147: {  	[sflag:s0] =	ssyncadd.tile.s32 @!p0 $0x1;
	_ =	shalt  }
.Lfunc_end2:
_tile_overlayer_lowered:
.L_overlay_start_2:
0x148: {  	(tag) =	ssettag $0x2  }
0x149: {  	s0 =	rddreg [dreg:$0x0];
	s2 =	stileid.u32  }
0x14a: {  	s1 =	rddreg [dreg:$0x1];
	p0 =	sne.s32 s2, $0x0  }
0x14b: {  	s3 =	rddreg [dreg:$0x2];
	[bflag:$0x3] =	sbarrier.arrive $0xFFFF;
	s2 =	simm.s32 @!p0 $0x1C01  }
0x14c: {  	[timem:s3], [sflag:s2] =	dma.local @!p0 [hbm:s0], s1  }
0x14d: {  	s0 =	simm.s32 @!p0 $0x1  }
0x14e: {  	_ =	swait.ge @!p0 [sflag:s0], s1  }
0x14f: {  	s1 =	ssub.s32 @!p0 $0x0, s1;
	[sflag:s0] =	ssyncset.done @!p0 $0x0  }
0x150: {  	[sflag:s0] =	ssyncadd.s32 @!p0 s1  }
0x151: {  	[bflag:$0x3] =	sbarrier.arrive $0xFFFF  }
0x152: {  	_ =	shalt  }

</sc_bundles>
